<compile_context>
chip_gen: v7x
topology: tpu7x:2x2x1
jax: 0.10.2.dev20260603
libtpu: 0.0.44.dev20260713+nightly
codegen_flags: <defaults>
</compile_context>

<pallas_src>
import functools

import jax
import jax.numpy as jnp
from jax import lax
from jax.experimental import pallas as pl
from jax.experimental.pallas import tpu as pltpu
from jax.experimental.pallas import tpu_sc as plsc

N = 100000
NBINS = 512
NW = 32
CHUNK = 3136
NVEC = CHUNK // 16
OVERLAP = NW * CHUNK - N

_mesh = plsc.VectorSubcoreMesh(core_axis_name="c", subcore_axis_name="s")


@functools.partial(
    pl.kernel,
    out_type=(
        jax.ShapeDtypeStruct((128, 128), jnp.float32),
        jax.ShapeDtypeStruct((NW, 128), jnp.float32),
    ),
    mesh=_mesh,
    scratch_types=[
        pltpu.VMEM((CHUNK,), jnp.float32),
        pltpu.VMEM((CHUNK,), jnp.int32),
        pltpu.VMEM((16 * NBINS,), jnp.float32),
        pltpu.VMEM((NBINS,), jnp.float32),
        pltpu.VMEM((128,), jnp.float32),
        pltpu.SemaphoreType.DMA,
        pltpu.SemaphoreType.DMA,
        pltpu.SemaphoreType.DMA,
    ],
    compiler_params=pltpu.CompilerParams(
        use_tc_tiling_on_sc=False, needs_layout_passes=False
    ),
)
def _sc_partials(beta_hbm, pid_hbm, seg_out, noise_out, beta_v, pid_v, acc,
                 res, nres, sem0, sem1, sem2):
    wid = lax.axis_index("s") * 2 + lax.axis_index("c")
    last = wid == NW - 1
    base = jnp.where(last, N - CHUNK, wid * CHUNK)
    skip = jnp.where(last, OVERLAP, 0)

    cp0 = pltpu.async_copy(beta_hbm.at[pl.ds(base, CHUNK)], beta_v, sem0)
    cp1 = pltpu.async_copy(pid_hbm.at[pl.ds(base, CHUNK)], pid_v, sem1)

    neg = jnp.full((16,), -1.0, jnp.float32)

    def init_body(i, _):
        b = i * 256
        for j in range(16):
            acc[pl.ds(b + j * 16, 16)] = neg
        return 0

    lax.fori_loop(0, 16 * NBINS // 256, init_body, 0)
    cp0.wait()
    cp1.wait()

    loff = lax.iota(jnp.int32, 16) * NBINS
    zf = jnp.zeros((16,), jnp.float32)

    def body(i, carry):
        ns, nc = carry
        for u in range(7):
            off = (7 * i + u) * 16
            pv = pid_v[pl.ds(off, 16)]
            bv = beta_v[pl.ds(off, 16)]
            idx = loff + pv
            cur = plsc.load_gather(acc, [idx])
            plsc.store_scatter(acc, [idx], jnp.maximum(cur, bv))
            m = (pv == 0) & (off >= skip)
            ns = ns + jnp.where(m, bv, 0.0)
            nc = nc + jnp.where(m, 1.0, 0.0)
        return ns, nc

    ns, nc = lax.fori_loop(0, NVEC // 7, body, (zf, zf))

    def red_body(cb, _):
        for q in range(2):
            b = (2 * cb + q) * 16
            m = acc[pl.ds(b, 16)]
            for l in range(1, 16):
                m = jnp.maximum(m, acc[pl.ds(l * NBINS + b, 16)])
            res[pl.ds(b, 16)] = m
        return 0

    lax.fori_loop(0, NBINS // 32, red_body, 0)

    nres[pl.ds(0, 16)] = ns
    nres[pl.ds(16, 16)] = nc
    for i in range(2, 8):
        nres[pl.ds(i * 16, 16)] = zf

    cps = [pltpu.async_copy(res.at[pl.ds(j * 128, 128)],
                            seg_out.at[4 * wid + j], sem2)
           for j in range(4)]
    cps.append(pltpu.async_copy(nres, noise_out.at[wid], sem2))
    for cp in cps:
        cp.wait()


def _combine_body(seg_ref, noise_ref, o_ref):
    x = seg_ref[:, :]
    row = lax.broadcasted_iota(jnp.int32, (128, 128), 0)
    ck = lax.broadcasted_iota(jnp.int32, (1, 128), 1)
    bsum = jnp.float32(0.0)
    npres = jnp.float32(0.0)
    for k in range(4):
        mk = jnp.max(jnp.where(row % 4 == k, x, -1.0), axis=0, keepdims=True)
        pres = (mk >= 0.0) & (ck + 128 * k >= 1)
        bsum += jnp.sum(jnp.where(pres, 1.0 - mk, 0.0))
        npres += jnp.sum(pres.astype(jnp.float32))
    nz = noise_ref[:, :]
    ncol = lax.broadcasted_iota(jnp.int32, (NW, 128), 1)
    ns = jnp.sum(jnp.where(ncol < 16, nz, 0.0))
    nc = jnp.sum(jnp.where((ncol >= 16) & (ncol < 32), nz, 0.0))
    loss = bsum / npres
    noise_mean = ns / jnp.maximum(nc, 1.0)
    loss = jnp.where(nc > 0.5, loss + 0.1 * noise_mean, loss)
    o_ref[0, 0] = loss


_combine = pl.pallas_call(
    _combine_body,
    out_shape=jax.ShapeDtypeStruct((1, 1), jnp.float32),
    out_specs=pl.BlockSpec(memory_space=pltpu.SMEM),
)


def kernel(beta, particle_id):
    seg, noise = _sc_partials(beta, particle_id)
    return _combine(seg, noise)[0, 0]

# --- scband reference (transcript-rebuilt; emitter-appended) ---
"""Pipeline reference for scband-background-loss-47210280517637 (READ-ONLY COPY).

The authoritative reference and input builder live on the scoring server;
editing this copy changes nothing except your own understanding.
"""

import jax, jax.numpy as jnp
import numpy as np

SB = 0.1


def setup_inputs(seed: int = 0) -> dict:
    key = jax.random.key(seed)
    k1, k2 = jax.random.split(key)
    beta = jax.random.uniform(k1, (100000,), dtype=jnp.float32)
    particle_id = jax.random.randint(k2, (100000,), 0, 512, dtype=jnp.int32)
    return {"beta": beta, "particle_id": particle_id}


def reference(beta, particle_id):
    # candidate non-noise particle ids: static range from the known randint bounds
    candidate_pids = jnp.arange(1, 512, dtype=particle_id.dtype)
    # [N, P] membership mask
    pid_masks = (particle_id[:, None] == candidate_pids[None, :])
    # which candidate pids are actually present
    present = jnp.any(pid_masks, axis=0)
    present_f = present.astype(beta.dtype)
    # condensation point (alpha) per particle: hit with max beta
    alphas = jnp.argmax(pid_masks.astype(beta.dtype) * beta[:, None], axis=0)
    beta_alphas = beta[alphas]
    n_present = jnp.sum(present_f)
    loss = jnp.sum((1.0 - beta_alphas) * present_f) / n_present
    noise_mask = particle_id == 0
    noise_f = noise_mask.astype(beta.dtype)
    n_noise = jnp.sum(noise_f)
    noise_mean = jnp.sum(beta * noise_f) / jnp.maximum(n_noise, 1.0)
    loss = jnp.where(n_noise > 0, loss + SB * noise_mean, loss)
    return loss

if __name__ == "__main__":
    import jax
    _d = setup_inputs()
    print(jax.jit(kernel)(*tuple(_d.values())))

</pallas_src>

<mosaic_0001>
#map = affine_map<(d0, d1) -> (0)>
#map1 = affine_map<(d0, d1) -> (0, 0)>
module attributes {stable_mosaic.version = 14 : i64} {
  func.func @_sc_partials(%arg0: i32, %arg1: i32, %arg2: memref<100000xf32, #tpu.memory_space<hbm>>, %arg3: memref<100000xi32, #tpu.memory_space<hbm>>, %arg4: memref<128x128xf32, #tpu.memory_space<hbm>>, %arg5: memref<32x128xf32, #tpu.memory_space<hbm>>, %arg6: memref<3136xf32, #tpu.memory_space<vmem>>, %arg7: memref<3136xi32, #tpu.memory_space<vmem>>, %arg8: memref<8192xf32, #tpu.memory_space<vmem>>, %arg9: memref<512xf32, #tpu.memory_space<vmem>>, %arg10: memref<128xf32, #tpu.memory_space<vmem>>, %arg11: memref<!tpu.dma_semaphore, #tpu.memory_space<semaphore_mem>>, %arg12: memref<!tpu.dma_semaphore, #tpu.memory_space<semaphore_mem>>, %arg13: memref<!tpu.dma_semaphore, #tpu.memory_space<semaphore_mem>>) attributes {dimension_semantics = [#tpu.dimension_semantics<core_parallel>, #tpu.dimension_semantics<subcore_parallel>], iteration_bounds = array<i64: 2, 16>, scalar_prefetch = 0 : i64, scratch_operands = 8 : i64, tpu.core_type = #tpu.core_type<sc_vector_subcore>, window_params = [{transform_indices = #map}, {transform_indices = #map}, {transform_indices = #map1}, {transform_indices = #map1}]} {
    %mul3A = arith.constant 2 : i32
    %mul3A_0 = arith.muli %arg1, %mul3A : i32
    %add3A = arith.addi %mul3A_0, %arg0 : i32
    %eq3A = arith.constant 31 : i32
    %eq3A_1 = arith.cmpi eq, %add3A, %eq3A : i32
    %mul3A_2 = arith.constant 3136 : i32
    %mul3A_3 = arith.muli %add3A, %mul3A_2 : i32
    %jit3A = arith.constant 96864 : i32
    %select_n3A = arith.select %eq3A_1, %jit3A, %mul3A_3 : i32
    %jit3A_4 = arith.constant 352 : i32
    %jit3A_5 = arith.constant 0 : i32
    %select_n3A_6 = arith.select %eq3A_1, %jit3A_4, %jit3A_5 : i32
    %dma_start3A = tpu.memref_slice %arg2[%select_n3A] : memref<100000xf32, #tpu.memory_space<hbm>> -> memref<3136xf32, #tpu.memory_space<hbm>>
    %dma_start3A_7 = tpu.memref_slice %arg2[%select_n3A] : memref<100000xf32, #tpu.memory_space<hbm>> -> memref<3136xf32, #tpu.memory_space<hbm>>
    tpu.enqueue_dma source(%dma_start3A_7 : memref<3136xf32, #tpu.memory_space<hbm>>) target(%arg6 : memref<3136xf32, #tpu.memory_space<vmem>>) target_semaphore(%arg11 : memref<!tpu.dma_semaphore, #tpu.memory_space<semaphore_mem>>)
    %dma_start3A_8 = tpu.memref_slice %arg3[%select_n3A] : memref<100000xi32, #tpu.memory_space<hbm>> -> memref<3136xi32, #tpu.memory_space<hbm>>
    %dma_start3A_9 = tpu.memref_slice %arg3[%select_n3A] : memref<100000xi32, #tpu.memory_space<hbm>> -> memref<3136xi32, #tpu.memory_space<hbm>>
    tpu.enqueue_dma source(%dma_start3A_9 : memref<3136xi32, #tpu.memory_space<hbm>>) target(%arg7 : memref<3136xi32, #tpu.memory_space<vmem>>) target_semaphore(%arg12 : memref<!tpu.dma_semaphore, #tpu.memory_space<semaphore_mem>>)
    %broadcast_in_dim3A = arith.constant -1.000000e+00 : f32
    %broadcast_in_dim3A_10 = vector.broadcast %broadcast_in_dim3A : f32 to vector<16xf32>
    %scan3A = arith.constant 0 : i32
    %scan3A_11 = arith.constant 0 : i32
    %scan3A_12 = arith.constant 32 : i32
    %scan3A_13 = arith.addi %scan3A_11, %scan3A_12 : i32
    %scan3A_14 = arith.constant 1 : i32
    %scan3A_15 = scf.for %scan3A_161 = %scan3A_11 to %scan3A_13 step %scan3A_14 iter_args(%scan3A_162 = %scan3A) -> (i32)  : i32 {
      %mul3A_163 = arith.constant 256 : i32
      %mul3A_164 = arith.muli %scan3A_161, %mul3A_163 : i32
      %add3A_165 = arith.constant 0 : i32
      %add3A_166 = arith.addi %mul3A_164, %add3A_165 : i32
      %swap3A_167 = arith.index_cast %add3A_166 : i32 to index
      %swap3A_168 = tpu.vector_load %arg8[%swap3A_167] {strides = array<i32>} : memref<8192xf32, #tpu.memory_space<vmem>>, vector<16xf32>,
      tpu.vector_store %arg8[%swap3A_167], %broadcast_in_dim3A_10 {strides = array<i32>} : memref<8192xf32, #tpu.memory_space<vmem>>, vector<16xf32>,
      %add3A_169 = arith.constant 16 : i32
      %add3A_170 = arith.addi %mul3A_164, %add3A_169 : i32
      %swap3A_171 = arith.index_cast %add3A_170 : i32 to index
      %swap3A_172 = tpu.vector_load %arg8[%swap3A_171] {strides = array<i32>} : memref<8192xf32, #tpu.memory_space<vmem>>, vector<16xf32>,
      tpu.vector_store %arg8[%swap3A_171], %broadcast_in_dim3A_10 {strides = array<i32>} : memref<8192xf32, #tpu.memory_space<vmem>>, vector<16xf32>,
      %add3A_173 = arith.constant 32 : i32
      %add3A_174 = arith.addi %mul3A_164, %add3A_173 : i32
      %swap3A_175 = arith.index_cast %add3A_174 : i32 to index
      %swap3A_176 = tpu.vector_load %arg8[%swap3A_175] {strides = array<i32>} : memref<8192xf32, #tpu.memory_space<vmem>>, vector<16xf32>,
      tpu.vector_store %arg8[%swap3A_175], %broadcast_in_dim3A_10 {strides = array<i32>} : memref<8192xf32, #tpu.memory_space<vmem>>, vector<16xf32>,
      %add3A_177 = arith.constant 48 : i32
      %add3A_178 = arith.addi %mul3A_164, %add3A_177 : i32
      %swap3A_179 = arith.index_cast %add3A_178 : i32 to index
      %swap3A_180 = tpu.vector_load %arg8[%swap3A_179] {strides = array<i32>} : memref<8192xf32, #tpu.memory_space<vmem>>, vector<16xf32>,
      tpu.vector_store %arg8[%swap3A_179], %broadcast_in_dim3A_10 {strides = array<i32>} : memref<8192xf32, #tpu.memory_space<vmem>>, vector<16xf32>,
      %add3A_181 = arith.constant 64 : i32
      %add3A_182 = arith.addi %mul3A_164, %add3A_181 : i32
      %swap3A_183 = arith.index_cast %add3A_182 : i32 to index
      %swap3A_184 = tpu.vector_load %arg8[%swap3A_183] {strides = array<i32>} : memref<8192xf32, #tpu.memory_space<vmem>>, vector<16xf32>,
      tpu.vector_store %arg8[%swap3A_183], %broadcast_in_dim3A_10 {strides = array<i32>} : memref<8192xf32, #tpu.memory_space<vmem>>, vector<16xf32>,
      %add3A_185 = arith.constant 80 : i32
      %add3A_186 = arith.addi %mul3A_164, %add3A_185 : i32
      %swap3A_187 = arith.index_cast %add3A_186 : i32 to index
      %swap3A_188 = tpu.vector_load %arg8[%swap3A_187] {strides = array<i32>} : memref<8192xf32, #tpu.memory_space<vmem>>, vector<16xf32>,
      tpu.vector_store %arg8[%swap3A_187], %broadcast_in_dim3A_10 {strides = array<i32>} : memref<8192xf32, #tpu.memory_space<vmem>>, vector<16xf32>,
      %add3A_189 = arith.constant 96 : i32
      %add3A_190 = arith.addi %mul3A_164, %add3A_189 : i32
      %swap3A_191 = arith.index_cast %add3A_190 : i32 to index
      %swap3A_192 = tpu.vector_load %arg8[%swap3A_191] {strides = array<i32>} : memref<8192xf32, #tpu.memory_space<vmem>>, vector<16xf32>,
      tpu.vector_store %arg8[%swap3A_191], %broadcast_in_dim3A_10 {strides = array<i32>} : memref<8192xf32, #tpu.memory_space<vmem>>, vector<16xf32>,
      %add3A_193 = arith.constant 112 : i32
      %add3A_194 = arith.addi %mul3A_164, %add3A_193 : i32
      %swap3A_195 = arith.index_cast %add3A_194 : i32 to index
      %swap3A_196 = tpu.vector_load %arg8[%swap3A_195] {strides = array<i32>} : memref<8192xf32, #tpu.memory_space<vmem>>, vector<16xf32>,
      tpu.vector_store %arg8[%swap3A_195], %broadcast_in_dim3A_10 {strides = array<i32>} : memref<8192xf32, #tpu.memory_space<vmem>>, vector<16xf32>,
      %add3A_197 = arith.constant 128 : i32
      %add3A_198 = arith.addi %mul3A_164, %add3A_197 : i32
      %swap3A_199 = arith.index_cast %add3A_198 : i32 to index
      %swap3A_200 = tpu.vector_load %arg8[%swap3A_199] {strides = array<i32>} : memref<8192xf32, #tpu.memory_space<vmem>>, vector<16xf32>,
      tpu.vector_store %arg8[%swap3A_199], %broadcast_in_dim3A_10 {strides = array<i32>} : memref<8192xf32, #tpu.memory_space<vmem>>, vector<16xf32>,
      %add3A_201 = arith.constant 144 : i32
      %add3A_202 = arith.addi %mul3A_164, %add3A_201 : i32
      %swap3A_203 = arith.index_cast %add3A_202 : i32 to index
      %swap3A_204 = tpu.vector_load %arg8[%swap3A_203] {strides = array<i32>} : memref<8192xf32, #tpu.memory_space<vmem>>, vector<16xf32>,
      tpu.vector_store %arg8[%swap3A_203], %broadcast_in_dim3A_10 {strides = array<i32>} : memref<8192xf32, #tpu.memory_space<vmem>>, vector<16xf32>,
      %add3A_205 = arith.constant 160 : i32
      %add3A_206 = arith.addi %mul3A_164, %add3A_205 : i32
      %swap3A_207 = arith.index_cast %add3A_206 : i32 to index
      %swap3A_208 = tpu.vector_load %arg8[%swap3A_207] {strides = array<i32>} : memref<8192xf32, #tpu.memory_space<vmem>>, vector<16xf32>,
      tpu.vector_store %arg8[%swap3A_207], %broadcast_in_dim3A_10 {strides = array<i32>} : memref<8192xf32, #tpu.memory_space<vmem>>, vector<16xf32>,
      %add3A_209 = arith.constant 176 : i32
      %add3A_210 = arith.addi %mul3A_164, %add3A_209 : i32
      %swap3A_211 = arith.index_cast %add3A_210 : i32 to index
      %swap3A_212 = tpu.vector_load %arg8[%swap3A_211] {strides = array<i32>} : memref<8192xf32, #tpu.memory_space<vmem>>, vector<16xf32>,
      tpu.vector_store %arg8[%swap3A_211], %broadcast_in_dim3A_10 {strides = array<i32>} : memref<8192xf32, #tpu.memory_space<vmem>>, vector<16xf32>,
      %add3A_213 = arith.constant 192 : i32
      %add3A_214 = arith.addi %mul3A_164, %add3A_213 : i32
      %swap3A_215 = arith.index_cast %add3A_214 : i32 to index
      %swap3A_216 = tpu.vector_load %arg8[%swap3A_215] {strides = array<i32>} : memref<8192xf32, #tpu.memory_space<vmem>>, vector<16xf32>,
      tpu.vector_store %arg8[%swap3A_215], %broadcast_in_dim3A_10 {strides = array<i32>} : memref<8192xf32, #tpu.memory_space<vmem>>, vector<16xf32>,
      %add3A_217 = arith.constant 208 : i32
      %add3A_218 = arith.addi %mul3A_164, %add3A_217 : i32
      %swap3A_219 = arith.index_cast %add3A_218 : i32 to index
      %swap3A_220 = tpu.vector_load %arg8[%swap3A_219] {strides = array<i32>} : memref<8192xf32, #tpu.memory_space<vmem>>, vector<16xf32>,
      tpu.vector_store %arg8[%swap3A_219], %broadcast_in_dim3A_10 {strides = array<i32>} : memref<8192xf32, #tpu.memory_space<vmem>>, vector<16xf32>,
      %add3A_221 = arith.constant 224 : i32
      %add3A_222 = arith.addi %mul3A_164, %add3A_221 : i32
      %swap3A_223 = arith.index_cast %add3A_222 : i32 to index
      %swap3A_224 = tpu.vector_load %arg8[%swap3A_223] {strides = array<i32>} : memref<8192xf32, #tpu.memory_space<vmem>>, vector<16xf32>,
      tpu.vector_store %arg8[%swap3A_223], %broadcast_in_dim3A_10 {strides = array<i32>} : memref<8192xf32, #tpu.memory_space<vmem>>, vector<16xf32>,
      %add3A_225 = arith.constant 240 : i32
      %add3A_226 = arith.addi %mul3A_164, %add3A_225 : i32
      %swap3A_227 = arith.index_cast %add3A_226 : i32 to index
      %swap3A_228 = tpu.vector_load %arg8[%swap3A_227] {strides = array<i32>} : memref<8192xf32, #tpu.memory_space<vmem>>, vector<16xf32>,
      tpu.vector_store %arg8[%swap3A_227], %broadcast_in_dim3A_10 {strides = array<i32>} : memref<8192xf32, #tpu.memory_space<vmem>>, vector<16xf32>,
      %scan3A_229 = arith.constant 0 : i32
      scf.yield %scan3A_229 : i32
    }
    %scan3A_16 = arith.constant 32 : i32
    %dma_wait3A = tpu.memref_slice %arg2[%select_n3A] : memref<100000xf32, #tpu.memory_space<hbm>> -> memref<3136xf32, #tpu.memory_space<hbm>>
    %dma_wait3A_17 = tpu.memref_slice %arg2[%select_n3A] : memref<100000xf32, #tpu.memory_space<hbm>> -> memref<3136xf32, #tpu.memory_space<hbm>>
    tpu.wait_dma2 semaphore(%arg11 : memref<!tpu.dma_semaphore, #tpu.memory_space<semaphore_mem>>) src(%dma_wait3A_17 : memref<3136xf32, #tpu.memory_space<hbm>>) dst(%arg6 : memref<3136xf32, #tpu.memory_space<vmem>>)
    %dma_wait3A_18 = tpu.memref_slice %arg3[%select_n3A] : memref<100000xi32, #tpu.memory_space<hbm>> -> memref<3136xi32, #tpu.memory_space<hbm>>
    %dma_wait3A_19 = tpu.memref_slice %arg3[%select_n3A] : memref<100000xi32, #tpu.memory_space<hbm>> -> memref<3136xi32, #tpu.memory_space<hbm>>
    tpu.wait_dma2 semaphore(%arg12 : memref<!tpu.dma_semaphore, #tpu.memory_space<semaphore_mem>>) src(%dma_wait3A_19 : memref<3136xi32, #tpu.memory_space<hbm>>) dst(%arg7 : memref<3136xi32, #tpu.memory_space<vmem>>)
    %iota3A = tpu.iota {dimensions = array<i32: 0>} : vector<16xi32>
    %mul3A_20 = arith.constant 512 : i32
    %mul3A_21 = vector.broadcast %mul3A_20 : i32 to vector<16xi32>
    %mul3A_22 = arith.muli %iota3A, %mul3A_21 : vector<16xi32>
    %broadcast_in_dim3A_23 = arith.constant 0.000000e+00 : f32
    %broadcast_in_dim3A_24 = vector.broadcast %broadcast_in_dim3A_23 : f32 to vector<16xf32>
    %scan3A_25 = arith.constant 0 : i32
    %scan3A_26 = arith.constant 28 : i32
    %scan3A_27 = arith.addi %scan3A_25, %scan3A_26 : i32
    %scan3A_28 = arith.constant 1 : i32
    %scan3A_29:2 = scf.for %scan3A_161 = %scan3A_25 to %scan3A_27 step %scan3A_28 iter_args(%scan3A_162 = %broadcast_in_dim3A_24, %scan3A_163 = %broadcast_in_dim3A_24) -> (vector<16xf32>, vector<16xf32>)  : i32 {
      %mul3A_164 = arith.constant 7 : i32
      %mul3A_165 = arith.muli %mul3A_164, %scan3A_161 : i32
      %add3A_166 = arith.constant 0 : i32
      %add3A_167 = arith.addi %mul3A_165, %add3A_166 : i32
      %mul3A_168 = arith.constant 16 : i32
      %mul3A_169 = arith.muli %add3A_167, %mul3A_168 : i32
      %get3A = arith.index_cast %mul3A_169 : i32 to index
      %get3A_170 = tpu.vector_load %arg7[%get3A] {strides = array<i32>} : memref<3136xi32, #tpu.memory_space<vmem>>, vector<16xi32>,
      %get3A_171 = arith.index_cast %mul3A_169 : i32 to index
      %get3A_172 = tpu.vector_load %arg6[%get3A_171] {strides = array<i32>} : memref<3136xf32, #tpu.memory_space<vmem>>, vector<16xf32>,
      %add3A_173 = arith.addi %mul3A_22, %get3A_170 : vector<16xi32>
      %gather3A = tpu.vector_load_idx %arg8[%add3A_173] : memref<8192xf32, #tpu.memory_space<vmem>>[vector<16xi32>], vector<16xf32>,
      %max3A = arith.maximumf %gather3A, %get3A_172 : vector<16xf32>
      tpu.vector_store_idx %arg8[%add3A_173], %max3A : memref<8192xf32, #tpu.memory_space<vmem>>[vector<16xi32>], vector<16xf32>,
      %eq3A_174 = arith.constant 0 : i32
      %eq3A_175 = vector.broadcast %eq3A_174 : i32 to vector<16xi32>
      %eq3A_176 = arith.cmpi eq, %get3A_170, %eq3A_175 : vector<16xi32>
      %ge3A = arith.cmpi sge, %mul3A_169, %select_n3A_6 : i32
      %and3A = vector.broadcast %ge3A : i1 to vector<16xi1>
      %and3A_177 = arith.andi %eq3A_176, %and3A : vector<16xi1>
      %jit3A_178 = arith.constant 0.000000e+00 : f32
      %broadcast_in_dim3A_179 = vector.broadcast %jit3A_178 : f32 to vector<16xf32>
      %select_n3A_180 = arith.select %and3A_177, %get3A_172, %broadcast_in_dim3A_179 : vector<16xi1>, vector<16xf32>
      %add3A_181 = arith.addf %scan3A_162, %select_n3A_180 : vector<16xf32>
      %jit3A_182 = arith.constant 1.000000e+00 : f32
      %jit3A_183 = arith.constant 0.000000e+00 : f32
      %broadcast_in_dim3A_184 = vector.broadcast %jit3A_182 : f32 to vector<16xf32>
      %broadcast_in_dim3A_185 = vector.broadcast %jit3A_183 : f32 to vector<16xf32>
      %select_n3A_186 = arith.select %and3A_177, %broadcast_in_dim3A_184, %broadcast_in_dim3A_185 : vector<16xi1>, vector<16xf32>
      %add3A_187 = arith.addf %scan3A_163, %select_n3A_186 : vector<16xf32>
      %mul3A_188 = arith.constant 7 : i32
      %mul3A_189 = arith.muli %mul3A_188, %scan3A_161 : i32
      %add3A_190 = arith.constant 1 : i32
      %add3A_191 = arith.addi %mul3A_189, %add3A_190 : i32
      %mul3A_192 = arith.constant 16 : i32
      %mul3A_193 = arith.muli %add3A_191, %mul3A_192 : i32
      %get3A_194 = arith.index_cast %mul3A_193 : i32 to index
      %get3A_195 = tpu.vector_load %arg7[%get3A_194] {strides = array<i32>} : memref<3136xi32, #tpu.memory_space<vmem>>, vector<16xi32>,
      %get3A_196 = arith.index_cast %mul3A_193 : i32 to index
      %get3A_197 = tpu.vector_load %arg6[%get3A_196] {strides = array<i32>} : memref<3136xf32, #tpu.memory_space<vmem>>, vector<16xf32>,
      %add3A_198 = arith.addi %mul3A_22, %get3A_195 : vector<16xi32>
      %gather3A_199 = tpu.vector_load_idx %arg8[%add3A_198] : memref<8192xf32, #tpu.memory_space<vmem>>[vector<16xi32>], vector<16xf32>,
      %max3A_200 = arith.maximumf %gather3A_199, %get3A_197 : vector<16xf32>
      tpu.vector_store_idx %arg8[%add3A_198], %max3A_200 : memref<8192xf32, #tpu.memory_space<vmem>>[vector<16xi32>], vector<16xf32>,
      %eq3A_201 = arith.constant 0 : i32
      %eq3A_202 = vector.broadcast %eq3A_201 : i32 to vector<16xi32>
      %eq3A_203 = arith.cmpi eq, %get3A_195, %eq3A_202 : vector<16xi32>
      %ge3A_204 = arith.cmpi sge, %mul3A_193, %select_n3A_6 : i32
      %and3A_205 = vector.broadcast %ge3A_204 : i1 to vector<16xi1>
      %and3A_206 = arith.andi %eq3A_203, %and3A_205 : vector<16xi1>
      %jit3A_207 = arith.constant 0.000000e+00 : f32
      %broadcast_in_dim3A_208 = vector.broadcast %jit3A_207 : f32 to vector<16xf32>
      %select_n3A_209 = arith.select %and3A_206, %get3A_197, %broadcast_in_dim3A_208 : vector<16xi1>, vector<16xf32>
      %add3A_210 = arith.addf %add3A_181, %select_n3A_209 : vector<16xf32>
      %jit3A_211 = arith.constant 1.000000e+00 : f32
      %jit3A_212 = arith.constant 0.000000e+00 : f32
      %broadcast_in_dim3A_213 = vector.broadcast %jit3A_211 : f32 to vector<16xf32>
      %broadcast_in_dim3A_214 = vector.broadcast %jit3A_212 : f32 to vector<16xf32>
      %select_n3A_215 = arith.select %and3A_206, %broadcast_in_dim3A_213, %broadcast_in_dim3A_214 : vector<16xi1>, vector<16xf32>
      %add3A_216 = arith.addf %add3A_187, %select_n3A_215 : vector<16xf32>
      %mul3A_217 = arith.constant 7 : i32
      %mul3A_218 = arith.muli %mul3A_217, %scan3A_161 : i32
      %add3A_219 = arith.constant 2 : i32
      %add3A_220 = arith.addi %mul3A_218, %add3A_219 : i32
      %mul3A_221 = arith.constant 16 : i32
      %mul3A_222 = arith.muli %add3A_220, %mul3A_221 : i32
      %get3A_223 = arith.index_cast %mul3A_222 : i32 to index
      %get3A_224 = tpu.vector_load %arg7[%get3A_223] {strides = array<i32>} : memref<3136xi32, #tpu.memory_space<vmem>>, vector<16xi32>,
      %get3A_225 = arith.index_cast %mul3A_222 : i32 to index
      %get3A_226 = tpu.vector_load %arg6[%get3A_225] {strides = array<i32>} : memref<3136xf32, #tpu.memory_space<vmem>>, vector<16xf32>,
      %add3A_227 = arith.addi %mul3A_22, %get3A_224 : vector<16xi32>
      %gather3A_228 = tpu.vector_load_idx %arg8[%add3A_227] : memref<8192xf32, #tpu.memory_space<vmem>>[vector<16xi32>], vector<16xf32>,
      %max3A_229 = arith.maximumf %gather3A_228, %get3A_226 : vector<16xf32>
      tpu.vector_store_idx %arg8[%add3A_227], %max3A_229 : memref<8192xf32, #tpu.memory_space<vmem>>[vector<16xi32>], vector<16xf32>,
      %eq3A_230 = arith.constant 0 : i32
      %eq3A_231 = vector.broadcast %eq3A_230 : i32 to vector<16xi32>
      %eq3A_232 = arith.cmpi eq, %get3A_224, %eq3A_231 : vector<16xi32>
      %ge3A_233 = arith.cmpi sge, %mul3A_222, %select_n3A_6 : i32
      %and3A_234 = vector.broadcast %ge3A_233 : i1 to vector<16xi1>
      %and3A_235 = arith.andi %eq3A_232, %and3A_234 : vector<16xi1>
      %jit3A_236 = arith.constant 0.000000e+00 : f32
      %broadcast_in_dim3A_237 = vector.broadcast %jit3A_236 : f32 to vector<16xf32>
      %select_n3A_238 = arith.select %and3A_235, %get3A_226, %broadcast_in_dim3A_237 : vector<16xi1>, vector<16xf32>
      %add3A_239 = arith.addf %add3A_210, %select_n3A_238 : vector<16xf32>
      %jit3A_240 = arith.constant 1.000000e+00 : f32
      %jit3A_241 = arith.constant 0.000000e+00 : f32
      %broadcast_in_dim3A_242 = vector.broadcast %jit3A_240 : f32 to vector<16xf32>
      %broadcast_in_dim3A_243 = vector.broadcast %jit3A_241 : f32 to vector<16xf32>
      %select_n3A_244 = arith.select %and3A_235, %broadcast_in_dim3A_242, %broadcast_in_dim3A_243 : vector<16xi1>, vector<16xf32>
      %add3A_245 = arith.addf %add3A_216, %select_n3A_244 : vector<16xf32>
      %mul3A_246 = arith.constant 7 : i32
      %mul3A_247 = arith.muli %mul3A_246, %scan3A_161 : i32
      %add3A_248 = arith.constant 3 : i32
      %add3A_249 = arith.addi %mul3A_247, %add3A_248 : i32
      %mul3A_250 = arith.constant 16 : i32
      %mul3A_251 = arith.muli %add3A_249, %mul3A_250 : i32
      %get3A_252 = arith.index_cast %mul3A_251 : i32 to index
      %get3A_253 = tpu.vector_load %arg7[%get3A_252] {strides = array<i32>} : memref<3136xi32, #tpu.memory_space<vmem>>, vector<16xi32>,
      %get3A_254 = arith.index_cast %mul3A_251 : i32 to index
      %get3A_255 = tpu.vector_load %arg6[%get3A_254] {strides = array<i32>} : memref<3136xf32, #tpu.memory_space<vmem>>, vector<16xf32>,
      %add3A_256 = arith.addi %mul3A_22, %get3A_253 : vector<16xi32>
      %gather3A_257 = tpu.vector_load_idx %arg8[%add3A_256] : memref<8192xf32, #tpu.memory_space<vmem>>[vector<16xi32>], vector<16xf32>,
      %max3A_258 = arith.maximumf %gather3A_257, %get3A_255 : vector<16xf32>
      tpu.vector_store_idx %arg8[%add3A_256], %max3A_258 : memref<8192xf32, #tpu.memory_space<vmem>>[vector<16xi32>], vector<16xf32>,
      %eq3A_259 = arith.constant 0 : i32
      %eq3A_260 = vector.broadcast %eq3A_259 : i32 to vector<16xi32>
      %eq3A_261 = arith.cmpi eq, %get3A_253, %eq3A_260 : vector<16xi32>
      %ge3A_262 = arith.cmpi sge, %mul3A_251, %select_n3A_6 : i32
      %and3A_263 = vector.broadcast %ge3A_262 : i1 to vector<16xi1>
      %and3A_264 = arith.andi %eq3A_261, %and3A_263 : vector<16xi1>
      %jit3A_265 = arith.constant 0.000000e+00 : f32
      %broadcast_in_dim3A_266 = vector.broadcast %jit3A_265 : f32 to vector<16xf32>
      %select_n3A_267 = arith.select %and3A_264, %get3A_255, %broadcast_in_dim3A_266 : vector<16xi1>, vector<16xf32>
      %add3A_268 = arith.addf %add3A_239, %select_n3A_267 : vector<16xf32>
      %jit3A_269 = arith.constant 1.000000e+00 : f32
      %jit3A_270 = arith.constant 0.000000e+00 : f32
      %broadcast_in_dim3A_271 = vector.broadcast %jit3A_269 : f32 to vector<16xf32>
      %broadcast_in_dim3A_272 = vector.broadcast %jit3A_270 : f32 to vector<16xf32>
      %select_n3A_273 = arith.select %and3A_264, %broadcast_in_dim3A_271, %broadcast_in_dim3A_272 : vector<16xi1>, vector<16xf32>
      %add3A_274 = arith.addf %add3A_245, %select_n3A_273 : vector<16xf32>
      %mul3A_275 = arith.constant 7 : i32
      %mul3A_276 = arith.muli %mul3A_275, %scan3A_161 : i32
      %add3A_277 = arith.constant 4 : i32
      %add3A_278 = arith.addi %mul3A_276, %add3A_277 : i32
      %mul3A_279 = arith.constant 16 : i32
      %mul3A_280 = arith.muli %add3A_278, %mul3A_279 : i32
      %get3A_281 = arith.index_cast %mul3A_280 : i32 to index
      %get3A_282 = tpu.vector_load %arg7[%get3A_281] {strides = array<i32>} : memref<3136xi32, #tpu.memory_space<vmem>>, vector<16xi32>,
      %get3A_283 = arith.index_cast %mul3A_280 : i32 to index
      %get3A_284 = tpu.vector_load %arg6[%get3A_283] {strides = array<i32>} : memref<3136xf32, #tpu.memory_space<vmem>>, vector<16xf32>,
      %add3A_285 = arith.addi %mul3A_22, %get3A_282 : vector<16xi32>
      %gather3A_286 = tpu.vector_load_idx %arg8[%add3A_285] : memref<8192xf32, #tpu.memory_space<vmem>>[vector<16xi32>], vector<16xf32>,
      %max3A_287 = arith.maximumf %gather3A_286, %get3A_284 : vector<16xf32>
      tpu.vector_store_idx %arg8[%add3A_285], %max3A_287 : memref<8192xf32, #tpu.memory_space<vmem>>[vector<16xi32>], vector<16xf32>,
      %eq3A_288 = arith.constant 0 : i32
      %eq3A_289 = vector.broadcast %eq3A_288 : i32 to vector<16xi32>
      %eq3A_290 = arith.cmpi eq, %get3A_282, %eq3A_289 : vector<16xi32>
      %ge3A_291 = arith.cmpi sge, %mul3A_280, %select_n3A_6 : i32
      %and3A_292 = vector.broadcast %ge3A_291 : i1 to vector<16xi1>
      %and3A_293 = arith.andi %eq3A_290, %and3A_292 : vector<16xi1>
      %jit3A_294 = arith.constant 0.000000e+00 : f32
      %broadcast_in_dim3A_295 = vector.broadcast %jit3A_294 : f32 to vector<16xf32>
      %select_n3A_296 = arith.select %and3A_293, %get3A_284, %broadcast_in_dim3A_295 : vector<16xi1>, vector<16xf32>
      %add3A_297 = arith.addf %add3A_268, %select_n3A_296 : vector<16xf32>
      %jit3A_298 = arith.constant 1.000000e+00 : f32
      %jit3A_299 = arith.constant 0.000000e+00 : f32
      %broadcast_in_dim3A_300 = vector.broadcast %jit3A_298 : f32 to vector<16xf32>
      %broadcast_in_dim3A_301 = vector.broadcast %jit3A_299 : f32 to vector<16xf32>
      %select_n3A_302 = arith.select %and3A_293, %broadcast_in_dim3A_300, %broadcast_in_dim3A_301 : vector<16xi1>, vector<16xf32>
      %add3A_303 = arith.addf %add3A_274, %select_n3A_302 : vector<16xf32>
      %mul3A_304 = arith.constant 7 : i32
      %mul3A_305 = arith.muli %mul3A_304, %scan3A_161 : i32
      %add3A_306 = arith.constant 5 : i32
      %add3A_307 = arith.addi %mul3A_305, %add3A_306 : i32
      %mul3A_308 = arith.constant 16 : i32
      %mul3A_309 = arith.muli %add3A_307, %mul3A_308 : i32
      %get3A_310 = arith.index_cast %mul3A_309 : i32 to index
      %get3A_311 = tpu.vector_load %arg7[%get3A_310] {strides = array<i32>} : memref<3136xi32, #tpu.memory_space<vmem>>, vector<16xi32>,
      %get3A_312 = arith.index_cast %mul3A_309 : i32 to index
      %get3A_313 = tpu.vector_load %arg6[%get3A_312] {strides = array<i32>} : memref<3136xf32, #tpu.memory_space<vmem>>, vector<16xf32>,
      %add3A_314 = arith.addi %mul3A_22, %get3A_311 : vector<16xi32>
      %gather3A_315 = tpu.vector_load_idx %arg8[%add3A_314] : memref<8192xf32, #tpu.memory_space<vmem>>[vector<16xi32>], vector<16xf32>,
      %max3A_316 = arith.maximumf %gather3A_315, %get3A_313 : vector<16xf32>
      tpu.vector_store_idx %arg8[%add3A_314], %max3A_316 : memref<8192xf32, #tpu.memory_space<vmem>>[vector<16xi32>], vector<16xf32>,
      %eq3A_317 = arith.constant 0 : i32
      %eq3A_318 = vector.broadcast %eq3A_317 : i32 to vector<16xi32>
      %eq3A_319 = arith.cmpi eq, %get3A_311, %eq3A_318 : vector<16xi32>
      %ge3A_320 = arith.cmpi sge, %mul3A_309, %select_n3A_6 : i32
      %and3A_321 = vector.broadcast %ge3A_320 : i1 to vector<16xi1>
      %and3A_322 = arith.andi %eq3A_319, %and3A_321 : vector<16xi1>
      %jit3A_323 = arith.constant 0.000000e+00 : f32
      %broadcast_in_dim3A_324 = vector.broadcast %jit3A_323 : f32 to vector<16xf32>
      %select_n3A_325 = arith.select %and3A_322, %get3A_313, %broadcast_in_dim3A_324 : vector<16xi1>, vector<16xf32>
      %add3A_326 = arith.addf %add3A_297, %select_n3A_325 : vector<16xf32>
      %jit3A_327 = arith.constant 1.000000e+00 : f32
      %jit3A_328 = arith.constant 0.000000e+00 : f32
      %broadcast_in_dim3A_329 = vector.broadcast %jit3A_327 : f32 to vector<16xf32>
      %broadcast_in_dim3A_330 = vector.broadcast %jit3A_328 : f32 to vector<16xf32>
      %select_n3A_331 = arith.select %and3A_322, %broadcast_in_dim3A_329, %broadcast_in_dim3A_330 : vector<16xi1>, vector<16xf32>
      %add3A_332 = arith.addf %add3A_303, %select_n3A_331 : vector<16xf32>
      %mul3A_333 = arith.constant 7 : i32
      %mul3A_334 = arith.muli %mul3A_333, %scan3A_161 : i32
      %add3A_335 = arith.constant 6 : i32
      %add3A_336 = arith.addi %mul3A_334, %add3A_335 : i32
      %mul3A_337 = arith.constant 16 : i32
      %mul3A_338 = arith.muli %add3A_336, %mul3A_337 : i32
      %get3A_339 = arith.index_cast %mul3A_338 : i32 to index
      %get3A_340 = tpu.vector_load %arg7[%get3A_339] {strides = array<i32>} : memref<3136xi32, #tpu.memory_space<vmem>>, vector<16xi32>,
      %get3A_341 = arith.index_cast %mul3A_338 : i32 to index
      %get3A_342 = tpu.vector_load %arg6[%get3A_341] {strides = array<i32>} : memref<3136xf32, #tpu.memory_space<vmem>>, vector<16xf32>,
      %add3A_343 = arith.addi %mul3A_22, %get3A_340 : vector<16xi32>
      %gather3A_344 = tpu.vector_load_idx %arg8[%add3A_343] : memref<8192xf32, #tpu.memory_space<vmem>>[vector<16xi32>], vector<16xf32>,
      %max3A_345 = arith.maximumf %gather3A_344, %get3A_342 : vector<16xf32>
      tpu.vector_store_idx %arg8[%add3A_343], %max3A_345 : memref<8192xf32, #tpu.memory_space<vmem>>[vector<16xi32>], vector<16xf32>,
      %eq3A_346 = arith.constant 0 : i32
      %eq3A_347 = vector.broadcast %eq3A_346 : i32 to vector<16xi32>
      %eq3A_348 = arith.cmpi eq, %get3A_340, %eq3A_347 : vector<16xi32>
      %ge3A_349 = arith.cmpi sge, %mul3A_338, %select_n3A_6 : i32
      %and3A_350 = vector.broadcast %ge3A_349 : i1 to vector<16xi1>
      %and3A_351 = arith.andi %eq3A_348, %and3A_350 : vector<16xi1>
      %jit3A_352 = arith.constant 0.000000e+00 : f32
      %broadcast_in_dim3A_353 = vector.broadcast %jit3A_352 : f32 to vector<16xf32>
      %select_n3A_354 = arith.select %and3A_351, %get3A_342, %broadcast_in_dim3A_353 : vector<16xi1>, vector<16xf32>
      %add3A_355 = arith.addf %add3A_326, %select_n3A_354 : vector<16xf32>
      %jit3A_356 = arith.constant 1.000000e+00 : f32
      %jit3A_357 = arith.constant 0.000000e+00 : f32
      %broadcast_in_dim3A_358 = vector.broadcast %jit3A_356 : f32 to vector<16xf32>
      %broadcast_in_dim3A_359 = vector.broadcast %jit3A_357 : f32 to vector<16xf32>
      %select_n3A_360 = arith.select %and3A_351, %broadcast_in_dim3A_358, %broadcast_in_dim3A_359 : vector<16xi1>, vector<16xf32>
      %add3A_361 = arith.addf %add3A_332, %select_n3A_360 : vector<16xf32>
      scf.yield %add3A_355, %add3A_361 : vector<16xf32>, vector<16xf32>
    }
    %scan3A_30 = arith.constant 28 : i32
    %scan3A_31 = arith.constant 0 : i32
    %scan3A_32 = arith.constant 0 : i32
    %scan3A_33 = arith.constant 16 : i32
    %scan3A_34 = arith.addi %scan3A_32, %scan3A_33 : i32
    %scan3A_35 = arith.constant 1 : i32
    %scan3A_36 = scf.for %scan3A_161 = %scan3A_32 to %scan3A_34 step %scan3A_35 iter_args(%scan3A_162 = %scan3A_31) -> (i32)  : i32 {
      %mul3A_163 = arith.constant 2 : i32
      %mul3A_164 = arith.muli %mul3A_163, %scan3A_161 : i32
      %add3A_165 = arith.constant 0 : i32
      %add3A_166 = arith.addi %mul3A_164, %add3A_165 : i32
      %mul3A_167 = arith.constant 16 : i32
      %mul3A_168 = arith.muli %add3A_166, %mul3A_167 : i32
      %get3A = arith.index_cast %mul3A_168 : i32 to index
      %get3A_169 = tpu.vector_load %arg8[%get3A] {strides = array<i32>} : memref<8192xf32, #tpu.memory_space<vmem>>, vector<16xf32>,
      %add3A_170 = arith.constant 512 : i32
      %add3A_171 = arith.addi %add3A_170, %mul3A_168 : i32
      %get3A_172 = arith.index_cast %add3A_171 : i32 to index
      %get3A_173 = tpu.vector_load %arg8[%get3A_172] {strides = array<i32>} : memref<8192xf32, #tpu.memory_space<vmem>>, vector<16xf32>,
      %max3A = arith.maximumf %get3A_169, %get3A_173 : vector<16xf32>
      %add3A_174 = arith.constant 1024 : i32
      %add3A_175 = arith.addi %add3A_174, %mul3A_168 : i32
      %get3A_176 = arith.index_cast %add3A_175 : i32 to index
      %get3A_177 = tpu.vector_load %arg8[%get3A_176] {strides = array<i32>} : memref<8192xf32, #tpu.memory_space<vmem>>, vector<16xf32>,
      %max3A_178 = arith.maximumf %max3A, %get3A_177 : vector<16xf32>
      %add3A_179 = arith.constant 1536 : i32
      %add3A_180 = arith.addi %add3A_179, %mul3A_168 : i32
      %get3A_181 = arith.index_cast %add3A_180 : i32 to index
      %get3A_182 = tpu.vector_load %arg8[%get3A_181] {strides = array<i32>} : memref<8192xf32, #tpu.memory_space<vmem>>, vector<16xf32>,
      %max3A_183 = arith.maximumf %max3A_178, %get3A_182 : vector<16xf32>
      %add3A_184 = arith.constant 2048 : i32
      %add3A_185 = arith.addi %add3A_184, %mul3A_168 : i32
      %get3A_186 = arith.index_cast %add3A_185 : i32 to index
      %get3A_187 = tpu.vector_load %arg8[%get3A_186] {strides = array<i32>} : memref<8192xf32, #tpu.memory_space<vmem>>, vector<16xf32>,
      %max3A_188 = arith.maximumf %max3A_183, %get3A_187 : vector<16xf32>
      %add3A_189 = arith.constant 2560 : i32
      %add3A_190 = arith.addi %add3A_189, %mul3A_168 : i32
      %get3A_191 = arith.index_cast %add3A_190 : i32 to index
      %get3A_192 = tpu.vector_load %arg8[%get3A_191] {strides = array<i32>} : memref<8192xf32, #tpu.memory_space<vmem>>, vector<16xf32>,
      %max3A_193 = arith.maximumf %max3A_188, %get3A_192 : vector<16xf32>
      %add3A_194 = arith.constant 3072 : i32
      %add3A_195 = arith.addi %add3A_194, %mul3A_168 : i32
      %get3A_196 = arith.index_cast %add3A_195 : i32 to index
      %get3A_197 = tpu.vector_load %arg8[%get3A_196] {strides = array<i32>} : memref<8192xf32, #tpu.memory_space<vmem>>, vector<16xf32>,
      %max3A_198 = arith.maximumf %max3A_193, %get3A_197 : vector<16xf32>
      %add3A_199 = arith.constant 3584 : i32
      %add3A_200 = arith.addi %add3A_199, %mul3A_168 : i32
      %get3A_201 = arith.index_cast %add3A_200 : i32 to index
      %get3A_202 = tpu.vector_load %arg8[%get3A_201] {strides = array<i32>} : memref<8192xf32, #tpu.memory_space<vmem>>, vector<16xf32>,
      %max3A_203 = arith.maximumf %max3A_198, %get3A_202 : vector<16xf32>
      %add3A_204 = arith.constant 4096 : i32
      %add3A_205 = arith.addi %add3A_204, %mul3A_168 : i32
      %get3A_206 = arith.index_cast %add3A_205 : i32 to index
      %get3A_207 = tpu.vector_load %arg8[%get3A_206] {strides = array<i32>} : memref<8192xf32, #tpu.memory_space<vmem>>, vector<16xf32>,
      %max3A_208 = arith.maximumf %max3A_203, %get3A_207 : vector<16xf32>
      %add3A_209 = arith.constant 4608 : i32
      %add3A_210 = arith.addi %add3A_209, %mul3A_168 : i32
      %get3A_211 = arith.index_cast %add3A_210 : i32 to index
      %get3A_212 = tpu.vector_load %arg8[%get3A_211] {strides = array<i32>} : memref<8192xf32, #tpu.memory_space<vmem>>, vector<16xf32>,
      %max3A_213 = arith.maximumf %max3A_208, %get3A_212 : vector<16xf32>
      %add3A_214 = arith.constant 5120 : i32
      %add3A_215 = arith.addi %add3A_214, %mul3A_168 : i32
      %get3A_216 = arith.index_cast %add3A_215 : i32 to index
      %get3A_217 = tpu.vector_load %arg8[%get3A_216] {strides = array<i32>} : memref<8192xf32, #tpu.memory_space<vmem>>, vector<16xf32>,
      %max3A_218 = arith.maximumf %max3A_213, %get3A_217 : vector<16xf32>
      %add3A_219 = arith.constant 5632 : i32
      %add3A_220 = arith.addi %add3A_219, %mul3A_168 : i32
      %get3A_221 = arith.index_cast %add3A_220 : i32 to index
      %get3A_222 = tpu.vector_load %arg8[%get3A_221] {strides = array<i32>} : memref<8192xf32, #tpu.memory_space<vmem>>, vector<16xf32>,
      %max3A_223 = arith.maximumf %max3A_218, %get3A_222 : vector<16xf32>
      %add3A_224 = arith.constant 6144 : i32
      %add3A_225 = arith.addi %add3A_224, %mul3A_168 : i32
      %get3A_226 = arith.index_cast %add3A_225 : i32 to index
      %get3A_227 = tpu.vector_load %arg8[%get3A_226] {strides = array<i32>} : memref<8192xf32, #tpu.memory_space<vmem>>, vector<16xf32>,
      %max3A_228 = arith.maximumf %max3A_223, %get3A_227 : vector<16xf32>
      %add3A_229 = arith.constant 6656 : i32
      %add3A_230 = arith.addi %add3A_229, %mul3A_168 : i32
      %get3A_231 = arith.index_cast %add3A_230 : i32 to index
      %get3A_232 = tpu.vector_load %arg8[%get3A_231] {strides = array<i32>} : memref<8192xf32, #tpu.memory_space<vmem>>, vector<16xf32>,
      %max3A_233 = arith.maximumf %max3A_228, %get3A_232 : vector<16xf32>
      %add3A_234 = arith.constant 7168 : i32
      %add3A_235 = arith.addi %add3A_234, %mul3A_168 : i32
      %get3A_236 = arith.index_cast %add3A_235 : i32 to index
      %get3A_237 = tpu.vector_load %arg8[%get3A_236] {strides = array<i32>} : memref<8192xf32, #tpu.memory_space<vmem>>, vector<16xf32>,
      %max3A_238 = arith.maximumf %max3A_233, %get3A_237 : vector<16xf32>
      %add3A_239 = arith.constant 7680 : i32
      %add3A_240 = arith.addi %add3A_239, %mul3A_168 : i32
      %get3A_241 = arith.index_cast %add3A_240 : i32 to index
      %get3A_242 = tpu.vector_load %arg8[%get3A_241] {strides = array<i32>} : memref<8192xf32, #tpu.memory_space<vmem>>, vector<16xf32>,
      %max3A_243 = arith.maximumf %max3A_238, %get3A_242 : vector<16xf32>
      %swap3A_244 = arith.index_cast %mul3A_168 : i32 to index
      %swap3A_245 = tpu.vector_load %arg9[%swap3A_244] {strides = array<i32>} : memref<512xf32, #tpu.memory_space<vmem>>, vector<16xf32>,
      tpu.vector_store %arg9[%swap3A_244], %max3A_243 {strides = array<i32>} : memref<512xf32, #tpu.memory_space<vmem>>, vector<16xf32>,
      %mul3A_246 = arith.constant 2 : i32
      %mul3A_247 = arith.muli %mul3A_246, %scan3A_161 : i32
      %add3A_248 = arith.constant 1 : i32
      %add3A_249 = arith.addi %mul3A_247, %add3A_248 : i32
      %mul3A_250 = arith.constant 16 : i32
      %mul3A_251 = arith.muli %add3A_249, %mul3A_250 : i32
      %get3A_252 = arith.index_cast %mul3A_251 : i32 to index
      %get3A_253 = tpu.vector_load %arg8[%get3A_252] {strides = array<i32>} : memref<8192xf32, #tpu.memory_space<vmem>>, vector<16xf32>,
      %add3A_254 = arith.constant 512 : i32
      %add3A_255 = arith.addi %add3A_254, %mul3A_251 : i32
      %get3A_256 = arith.index_cast %add3A_255 : i32 to index
      %get3A_257 = tpu.vector_load %arg8[%get3A_256] {strides = array<i32>} : memref<8192xf32, #tpu.memory_space<vmem>>, vector<16xf32>,
      %max3A_258 = arith.maximumf %get3A_253, %get3A_257 : vector<16xf32>
      %add3A_259 = arith.constant 1024 : i32
      %add3A_260 = arith.addi %add3A_259, %mul3A_251 : i32
      %get3A_261 = arith.index_cast %add3A_260 : i32 to index
      %get3A_262 = tpu.vector_load %arg8[%get3A_261] {strides = array<i32>} : memref<8192xf32, #tpu.memory_space<vmem>>, vector<16xf32>,
      %max3A_263 = arith.maximumf %max3A_258, %get3A_262 : vector<16xf32>
      %add3A_264 = arith.constant 1536 : i32
      %add3A_265 = arith.addi %add3A_264, %mul3A_251 : i32
      %get3A_266 = arith.index_cast %add3A_265 : i32 to index
      %get3A_267 = tpu.vector_load %arg8[%get3A_266] {strides = array<i32>} : memref<8192xf32, #tpu.memory_space<vmem>>, vector<16xf32>,
      %max3A_268 = arith.maximumf %max3A_263, %get3A_267 : vector<16xf32>
      %add3A_269 = arith.constant 2048 : i32
      %add3A_270 = arith.addi %add3A_269, %mul3A_251 : i32
      %get3A_271 = arith.index_cast %add3A_270 : i32 to index
      %get3A_272 = tpu.vector_load %arg8[%get3A_271] {strides = array<i32>} : memref<8192xf32, #tpu.memory_space<vmem>>, vector<16xf32>,
      %max3A_273 = arith.maximumf %max3A_268, %get3A_272 : vector<16xf32>
      %add3A_274 = arith.constant 2560 : i32
      %add3A_275 = arith.addi %add3A_274, %mul3A_251 : i32
      %get3A_276 = arith.index_cast %add3A_275 : i32 to index
      %get3A_277 = tpu.vector_load %arg8[%get3A_276] {strides = array<i32>} : memref<8192xf32, #tpu.memory_space<vmem>>, vector<16xf32>,
      %max3A_278 = arith.maximumf %max3A_273, %get3A_277 : vector<16xf32>
      %add3A_279 = arith.constant 3072 : i32
      %add3A_280 = arith.addi %add3A_279, %mul3A_251 : i32
      %get3A_281 = arith.index_cast %add3A_280 : i32 to index
      %get3A_282 = tpu.vector_load %arg8[%get3A_281] {strides = array<i32>} : memref<8192xf32, #tpu.memory_space<vmem>>, vector<16xf32>,
      %max3A_283 = arith.maximumf %max3A_278, %get3A_282 : vector<16xf32>
      %add3A_284 = arith.constant 3584 : i32
      %add3A_285 = arith.addi %add3A_284, %mul3A_251 : i32
      %get3A_286 = arith.index_cast %add3A_285 : i32 to index
      %get3A_287 = tpu.vector_load %arg8[%get3A_286] {strides = array<i32>} : memref<8192xf32, #tpu.memory_space<vmem>>, vector<16xf32>,
      %max3A_288 = arith.maximumf %max3A_283, %get3A_287 : vector<16xf32>
      %add3A_289 = arith.constant 4096 : i32
      %add3A_290 = arith.addi %add3A_289, %mul3A_251 : i32
      %get3A_291 = arith.index_cast %add3A_290 : i32 to index
      %get3A_292 = tpu.vector_load %arg8[%get3A_291] {strides = array<i32>} : memref<8192xf32, #tpu.memory_space<vmem>>, vector<16xf32>,
      %max3A_293 = arith.maximumf %max3A_288, %get3A_292 : vector<16xf32>
      %add3A_294 = arith.constant 4608 : i32
      %add3A_295 = arith.addi %add3A_294, %mul3A_251 : i32
      %get3A_296 = arith.index_cast %add3A_295 : i32 to index
      %get3A_297 = tpu.vector_load %arg8[%get3A_296] {strides = array<i32>} : memref<8192xf32, #tpu.memory_space<vmem>>, vector<16xf32>,
      %max3A_298 = arith.maximumf %max3A_293, %get3A_297 : vector<16xf32>
      %add3A_299 = arith.constant 5120 : i32
      %add3A_300 = arith.addi %add3A_299, %mul3A_251 : i32
      %get3A_301 = arith.index_cast %add3A_300 : i32 to index
      %get3A_302 = tpu.vector_load %arg8[%get3A_301] {strides = array<i32>} : memref<8192xf32, #tpu.memory_space<vmem>>, vector<16xf32>,
      %max3A_303 = arith.maximumf %max3A_298, %get3A_302 : vector<16xf32>
      %add3A_304 = arith.constant 5632 : i32
      %add3A_305 = arith.addi %add3A_304, %mul3A_251 : i32
      %get3A_306 = arith.index_cast %add3A_305 : i32 to index
      %get3A_307 = tpu.vector_load %arg8[%get3A_306] {strides = array<i32>} : memref<8192xf32, #tpu.memory_space<vmem>>, vector<16xf32>,
      %max3A_308 = arith.maximumf %max3A_303, %get3A_307 : vector<16xf32>
      %add3A_309 = arith.constant 6144 : i32
      %add3A_310 = arith.addi %add3A_309, %mul3A_251 : i32
      %get3A_311 = arith.index_cast %add3A_310 : i32 to index
      %get3A_312 = tpu.vector_load %arg8[%get3A_311] {strides = array<i32>} : memref<8192xf32, #tpu.memory_space<vmem>>, vector<16xf32>,
      %max3A_313 = arith.maximumf %max3A_308, %get3A_312 : vector<16xf32>
      %add3A_314 = arith.constant 6656 : i32
      %add3A_315 = arith.addi %add3A_314, %mul3A_251 : i32
      %get3A_316 = arith.index_cast %add3A_315 : i32 to index
      %get3A_317 = tpu.vector_load %arg8[%get3A_316] {strides = array<i32>} : memref<8192xf32, #tpu.memory_space<vmem>>, vector<16xf32>,
      %max3A_318 = arith.maximumf %max3A_313, %get3A_317 : vector<16xf32>
      %add3A_319 = arith.constant 7168 : i32
      %add3A_320 = arith.addi %add3A_319, %mul3A_251 : i32
      %get3A_321 = arith.index_cast %add3A_320 : i32 to index
      %get3A_322 = tpu.vector_load %arg8[%get3A_321] {strides = array<i32>} : memref<8192xf32, #tpu.memory_space<vmem>>, vector<16xf32>,
      %max3A_323 = arith.maximumf %max3A_318, %get3A_322 : vector<16xf32>
      %add3A_324 = arith.constant 7680 : i32
      %add3A_325 = arith.addi %add3A_324, %mul3A_251 : i32
      %get3A_326 = arith.index_cast %add3A_325 : i32 to index
      %get3A_327 = tpu.vector_load %arg8[%get3A_326] {strides = array<i32>} : memref<8192xf32, #tpu.memory_space<vmem>>, vector<16xf32>,
      %max3A_328 = arith.maximumf %max3A_323, %get3A_327 : vector<16xf32>
      %swap3A_329 = arith.index_cast %mul3A_251 : i32 to index
      %swap3A_330 = tpu.vector_load %arg9[%swap3A_329] {strides = array<i32>} : memref<512xf32, #tpu.memory_space<vmem>>, vector<16xf32>,
      tpu.vector_store %arg9[%swap3A_329], %max3A_328 {strides = array<i32>} : memref<512xf32, #tpu.memory_space<vmem>>, vector<16xf32>,
      %scan3A_331 = arith.constant 0 : i32
      scf.yield %scan3A_331 : i32
    }
    %scan3A_37 = arith.constant 16 : i32
    %swap3A = arith.constant 0 : index
    %swap3A_38 = tpu.vector_load %arg10[%swap3A] {strides = array<i32>} : memref<128xf32, #tpu.memory_space<vmem>>, vector<16xf32>,
    tpu.vector_store %arg10[%swap3A], %scan3A_29#0 {strides = array<i32>} : memref<128xf32, #tpu.memory_space<vmem>>, vector<16xf32>,
    %swap3A_39 = arith.constant 16 : index
    %swap3A_40 = tpu.vector_load %arg10[%swap3A_39] {strides = array<i32>} : memref<128xf32, #tpu.memory_space<vmem>>, vector<16xf32>,
    tpu.vector_store %arg10[%swap3A_39], %scan3A_29#1 {strides = array<i32>} : memref<128xf32, #tpu.memory_space<vmem>>, vector<16xf32>,
    %swap3A_41 = arith.constant 32 : index
    %swap3A_42 = tpu.vector_load %arg10[%swap3A_41] {strides = array<i32>} : memref<128xf32, #tpu.memory_space<vmem>>, vector<16xf32>,
    tpu.vector_store %arg10[%swap3A_41], %broadcast_in_dim3A_24 {strides = array<i32>} : memref<128xf32, #tpu.memory_space<vmem>>, vector<16xf32>,
    %swap3A_43 = arith.constant 48 : index
    %swap3A_44 = tpu.vector_load %arg10[%swap3A_43] {strides = array<i32>} : memref<128xf32, #tpu.memory_space<vmem>>, vector<16xf32>,
    tpu.vector_store %arg10[%swap3A_43], %broadcast_in_dim3A_24 {strides = array<i32>} : memref<128xf32, #tpu.memory_space<vmem>>, vector<16xf32>,
    %swap3A_45 = arith.constant 64 : index
    %swap3A_46 = tpu.vector_load %arg10[%swap3A_45] {strides = array<i32>} : memref<128xf32, #tpu.memory_space<vmem>>, vector<16xf32>,
    tpu.vector_store %arg10[%swap3A_45], %broadcast_in_dim3A_24 {strides = array<i32>} : memref<128xf32, #tpu.memory_space<vmem>>, vector<16xf32>,
    %swap3A_47 = arith.constant 80 : index
    %swap3A_48 = tpu.vector_load %arg10[%swap3A_47] {strides = array<i32>} : memref<128xf32, #tpu.memory_space<vmem>>, vector<16xf32>,
    tpu.vector_store %arg10[%swap3A_47], %broadcast_in_dim3A_24 {strides = array<i32>} : memref<128xf32, #tpu.memory_space<vmem>>, vector<16xf32>,
    %swap3A_49 = arith.constant 96 : index
    %swap3A_50 = tpu.vector_load %arg10[%swap3A_49] {strides = array<i32>} : memref<128xf32, #tpu.memory_space<vmem>>, vector<16xf32>,
    tpu.vector_store %arg10[%swap3A_49], %broadcast_in_dim3A_24 {strides = array<i32>} : memref<128xf32, #tpu.memory_space<vmem>>, vector<16xf32>,
    %swap3A_51 = arith.constant 112 : index
    %swap3A_52 = tpu.vector_load %arg10[%swap3A_51] {strides = array<i32>} : memref<128xf32, #tpu.memory_space<vmem>>, vector<16xf32>,
    tpu.vector_store %arg10[%swap3A_51], %broadcast_in_dim3A_24 {strides = array<i32>} : memref<128xf32, #tpu.memory_space<vmem>>, vector<16xf32>,
    %mul3A_53 = arith.constant 4 : i32
    %mul3A_54 = arith.muli %mul3A_53, %add3A : i32
    %add3A_55 = arith.constant 0 : i32
    %add3A_56 = arith.addi %mul3A_54, %add3A_55 : i32
    %dma_start3A_57 = arith.constant 0 : i32
    %dma_start3A_58 = tpu.memref_slice %arg9[%dma_start3A_57] : memref<512xf32, #tpu.memory_space<vmem>> -> memref<128xf32, #tpu.memory_space<vmem>>
    %dma_start3A_59 = arith.constant 0 : i32
    %dma_start3A_60 = tpu.memref_slice %arg4[%add3A_56, %dma_start3A_59] : memref<128x128xf32, #tpu.memory_space<hbm>> -> memref<1x128xf32, #tpu.memory_space<hbm>>
    %dma_start3A_61 = tpu.memref_squeeze %dma_start3A_60 : memref<1x128xf32, #tpu.memory_space<hbm>> -> memref<128xf32, #tpu.memory_space<hbm>>
    %dma_start3A_62 = arith.constant 0 : i32
    %dma_start3A_63 = tpu.memref_slice %arg4[%add3A_56, %dma_start3A_62] : memref<128x128xf32, #tpu.memory_space<hbm>> -> memref<1x128xf32, #tpu.memory_space<hbm>>
    %dma_start3A_64 = tpu.memref_squeeze %dma_start3A_63 : memref<1x128xf32, #tpu.memory_space<hbm>> -> memref<128xf32, #tpu.memory_space<hbm>>
    %dma_start3A_65 = arith.constant 0 : i32
    %dma_start3A_66 = tpu.memref_slice %arg9[%dma_start3A_65] : memref<512xf32, #tpu.memory_space<vmem>> -> memref<128xf32, #tpu.memory_space<vmem>>
    tpu.enqueue_dma source(%dma_start3A_66 : memref<128xf32, #tpu.memory_space<vmem>>) target(%dma_start3A_64 : memref<128xf32, #tpu.memory_space<hbm>>) target_semaphore(%arg13 : memref<!tpu.dma_semaphore, #tpu.memory_space<semaphore_mem>>)
    %mul3A_67 = arith.constant 4 : i32
    %mul3A_68 = arith.muli %mul3A_67, %add3A : i32
    %add3A_69 = arith.constant 1 : i32
    %add3A_70 = arith.addi %mul3A_68, %add3A_69 : i32
    %dma_start3A_71 = arith.constant 128 : i32
    %dma_start3A_72 = tpu.memref_slice %arg9[%dma_start3A_71] : memref<512xf32, #tpu.memory_space<vmem>> -> memref<128xf32, #tpu.memory_space<vmem>>
    %dma_start3A_73 = arith.constant 0 : i32
    %dma_start3A_74 = tpu.memref_slice %arg4[%add3A_70, %dma_start3A_73] : memref<128x128xf32, #tpu.memory_space<hbm>> -> memref<1x128xf32, #tpu.memory_space<hbm>>
    %dma_start3A_75 = tpu.memref_squeeze %dma_start3A_74 : memref<1x128xf32, #tpu.memory_space<hbm>> -> memref<128xf32, #tpu.memory_space<hbm>>
    %dma_start3A_76 = arith.constant 0 : i32
    %dma_start3A_77 = tpu.memref_slice %arg4[%add3A_70, %dma_start3A_76] : memref<128x128xf32, #tpu.memory_space<hbm>> -> memref<1x128xf32, #tpu.memory_space<hbm>>
    %dma_start3A_78 = tpu.memref_squeeze %dma_start3A_77 : memref<1x128xf32, #tpu.memory_space<hbm>> -> memref<128xf32, #tpu.memory_space<hbm>>
    %dma_start3A_79 = arith.constant 128 : i32
    %dma_start3A_80 = tpu.memref_slice %arg9[%dma_start3A_79] : memref<512xf32, #tpu.memory_space<vmem>> -> memref<128xf32, #tpu.memory_space<vmem>>
    tpu.enqueue_dma source(%dma_start3A_80 : memref<128xf32, #tpu.memory_space<vmem>>) target(%dma_start3A_78 : memref<128xf32, #tpu.memory_space<hbm>>) target_semaphore(%arg13 : memref<!tpu.dma_semaphore, #tpu.memory_space<semaphore_mem>>)
    %mul3A_81 = arith.constant 4 : i32
    %mul3A_82 = arith.muli %mul3A_81, %add3A : i32
    %add3A_83 = arith.constant 2 : i32
    %add3A_84 = arith.addi %mul3A_82, %add3A_83 : i32
    %dma_start3A_85 = arith.constant 256 : i32
    %dma_start3A_86 = tpu.memref_slice %arg9[%dma_start3A_85] : memref<512xf32, #tpu.memory_space<vmem>> -> memref<128xf32, #tpu.memory_space<vmem>>
    %dma_start3A_87 = arith.constant 0 : i32
    %dma_start3A_88 = tpu.memref_slice %arg4[%add3A_84, %dma_start3A_87] : memref<128x128xf32, #tpu.memory_space<hbm>> -> memref<1x128xf32, #tpu.memory_space<hbm>>
    %dma_start3A_89 = tpu.memref_squeeze %dma_start3A_88 : memref<1x128xf32, #tpu.memory_space<hbm>> -> memref<128xf32, #tpu.memory_space<hbm>>
    %dma_start3A_90 = arith.constant 0 : i32
    %dma_start3A_91 = tpu.memref_slice %arg4[%add3A_84, %dma_start3A_90] : memref<128x128xf32, #tpu.memory_space<hbm>> -> memref<1x128xf32, #tpu.memory_space<hbm>>
    %dma_start3A_92 = tpu.memref_squeeze %dma_start3A_91 : memref<1x128xf32, #tpu.memory_space<hbm>> -> memref<128xf32, #tpu.memory_space<hbm>>
    %dma_start3A_93 = arith.constant 256 : i32
    %dma_start3A_94 = tpu.memref_slice %arg9[%dma_start3A_93] : memref<512xf32, #tpu.memory_space<vmem>> -> memref<128xf32, #tpu.memory_space<vmem>>
    tpu.enqueue_dma source(%dma_start3A_94 : memref<128xf32, #tpu.memory_space<vmem>>) target(%dma_start3A_92 : memref<128xf32, #tpu.memory_space<hbm>>) target_semaphore(%arg13 : memref<!tpu.dma_semaphore, #tpu.memory_space<semaphore_mem>>)
    %mul3A_95 = arith.constant 4 : i32
    %mul3A_96 = arith.muli %mul3A_95, %add3A : i32
    %add3A_97 = arith.constant 3 : i32
    %add3A_98 = arith.addi %mul3A_96, %add3A_97 : i32
    %dma_start3A_99 = arith.constant 384 : i32
    %dma_start3A_100 = tpu.memref_slice %arg9[%dma_start3A_99] : memref<512xf32, #tpu.memory_space<vmem>> -> memref<128xf32, #tpu.memory_space<vmem>>
    %dma_start3A_101 = arith.constant 0 : i32
    %dma_start3A_102 = tpu.memref_slice %arg4[%add3A_98, %dma_start3A_101] : memref<128x128xf32, #tpu.memory_space<hbm>> -> memref<1x128xf32, #tpu.memory_space<hbm>>
    %dma_start3A_103 = tpu.memref_squeeze %dma_start3A_102 : memref<1x128xf32, #tpu.memory_space<hbm>> -> memref<128xf32, #tpu.memory_space<hbm>>
    %dma_start3A_104 = arith.constant 0 : i32
    %dma_start3A_105 = tpu.memref_slice %arg4[%add3A_98, %dma_start3A_104] : memref<128x128xf32, #tpu.memory_space<hbm>> -> memref<1x128xf32, #tpu.memory_space<hbm>>
    %dma_start3A_106 = tpu.memref_squeeze %dma_start3A_105 : memref<1x128xf32, #tpu.memory_space<hbm>> -> memref<128xf32, #tpu.memory_space<hbm>>
    %dma_start3A_107 = arith.constant 384 : i32
    %dma_start3A_108 = tpu.memref_slice %arg9[%dma_start3A_107] : memref<512xf32, #tpu.memory_space<vmem>> -> memref<128xf32, #tpu.memory_space<vmem>>
    tpu.enqueue_dma source(%dma_start3A_108 : memref<128xf32, #tpu.memory_space<vmem>>) target(%dma_start3A_106 : memref<128xf32, #tpu.memory_space<hbm>>) target_semaphore(%arg13 : memref<!tpu.dma_semaphore, #tpu.memory_space<semaphore_mem>>)
    %dma_start3A_109 = arith.constant 0 : i32
    %dma_start3A_110 = tpu.memref_slice %arg5[%add3A, %dma_start3A_109] : memref<32x128xf32, #tpu.memory_space<hbm>> -> memref<1x128xf32, #tpu.memory_space<hbm>>
    %dma_start3A_111 = tpu.memref_squeeze %dma_start3A_110 : memref<1x128xf32, #tpu.memory_space<hbm>> -> memref<128xf32, #tpu.memory_space<hbm>>
    %dma_start3A_112 = arith.constant 0 : i32
    %dma_start3A_113 = tpu.memref_slice %arg5[%add3A, %dma_start3A_112] : memref<32x128xf32, #tpu.memory_space<hbm>> -> memref<1x128xf32, #tpu.memory_space<hbm>>
    %dma_start3A_114 = tpu.memref_squeeze %dma_start3A_113 : memref<1x128xf32, #tpu.memory_space<hbm>> -> memref<128xf32, #tpu.memory_space<hbm>>
    tpu.enqueue_dma source(%arg10 : memref<128xf32, #tpu.memory_space<vmem>>) target(%dma_start3A_114 : memref<128xf32, #tpu.memory_space<hbm>>) target_semaphore(%arg13 : memref<!tpu.dma_semaphore, #tpu.memory_space<semaphore_mem>>)
    %dma_wait3A_115 = arith.constant 0 : i32
    %dma_wait3A_116 = tpu.memref_slice %arg9[%dma_wait3A_115] : memref<512xf32, #tpu.memory_space<vmem>> -> memref<128xf32, #tpu.memory_space<vmem>>
    %dma_wait3A_117 = arith.constant 0 : i32
    %dma_wait3A_118 = tpu.memref_slice %arg4[%add3A_56, %dma_wait3A_117] : memref<128x128xf32, #tpu.memory_space<hbm>> -> memref<1x128xf32, #tpu.memory_space<hbm>>
    %dma_wait3A_119 = tpu.memref_squeeze %dma_wait3A_118 : memref<1x128xf32, #tpu.memory_space<hbm>> -> memref<128xf32, #tpu.memory_space<hbm>>
    %dma_wait3A_120 = arith.constant 0 : i32
    %dma_wait3A_121 = tpu.memref_slice %arg4[%add3A_56, %dma_wait3A_120] : memref<128x128xf32, #tpu.memory_space<hbm>> -> memref<1x128xf32, #tpu.memory_space<hbm>>
    %dma_wait3A_122 = tpu.memref_squeeze %dma_wait3A_121 : memref<1x128xf32, #tpu.memory_space<hbm>> -> memref<128xf32, #tpu.memory_space<hbm>>
    %dma_wait3A_123 = arith.constant 0 : i32
    %dma_wait3A_124 = tpu.memref_slice %arg9[%dma_wait3A_123] : memref<512xf32, #tpu.memory_space<vmem>> -> memref<128xf32, #tpu.memory_space<vmem>>
    tpu.wait_dma2 semaphore(%arg13 : memref<!tpu.dma_semaphore, #tpu.memory_space<semaphore_mem>>) src(%dma_wait3A_124 : memref<128xf32, #tpu.memory_space<vmem>>) dst(%dma_wait3A_122 : memref<128xf32, #tpu.memory_space<hbm>>)
    %dma_wait3A_125 = arith.constant 128 : i32
    %dma_wait3A_126 = tpu.memref_slice %arg9[%dma_wait3A_125] : memref<512xf32, #tpu.memory_space<vmem>> -> memref<128xf32, #tpu.memory_space<vmem>>
    %dma_wait3A_127 = arith.constant 0 : i32
    %dma_wait3A_128 = tpu.memref_slice %arg4[%add3A_70, %dma_wait3A_127] : memref<128x128xf32, #tpu.memory_space<hbm>> -> memref<1x128xf32, #tpu.memory_space<hbm>>
    %dma_wait3A_129 = tpu.memref_squeeze %dma_wait3A_128 : memref<1x128xf32, #tpu.memory_space<hbm>> -> memref<128xf32, #tpu.memory_space<hbm>>
    %dma_wait3A_130 = arith.constant 0 : i32
    %dma_wait3A_131 = tpu.memref_slice %arg4[%add3A_70, %dma_wait3A_130] : memref<128x128xf32, #tpu.memory_space<hbm>> -> memref<1x128xf32, #tpu.memory_space<hbm>>
    %dma_wait3A_132 = tpu.memref_squeeze %dma_wait3A_131 : memref<1x128xf32, #tpu.memory_space<hbm>> -> memref<128xf32, #tpu.memory_space<hbm>>
    %dma_wait3A_133 = arith.constant 128 : i32
    %dma_wait3A_134 = tpu.memref_slice %arg9[%dma_wait3A_133] : memref<512xf32, #tpu.memory_space<vmem>> -> memref<128xf32, #tpu.memory_space<vmem>>
    tpu.wait_dma2 semaphore(%arg13 : memref<!tpu.dma_semaphore, #tpu.memory_space<semaphore_mem>>) src(%dma_wait3A_134 : memref<128xf32, #tpu.memory_space<vmem>>) dst(%dma_wait3A_132 : memref<128xf32, #tpu.memory_space<hbm>>)
    %dma_wait3A_135 = arith.constant 256 : i32
    %dma_wait3A_136 = tpu.memref_slice %arg9[%dma_wait3A_135] : memref<512xf32, #tpu.memory_space<vmem>> -> memref<128xf32, #tpu.memory_space<vmem>>
    %dma_wait3A_137 = arith.constant 0 : i32
    %dma_wait3A_138 = tpu.memref_slice %arg4[%add3A_84, %dma_wait3A_137] : memref<128x128xf32, #tpu.memory_space<hbm>> -> memref<1x128xf32, #tpu.memory_space<hbm>>
    %dma_wait3A_139 = tpu.memref_squeeze %dma_wait3A_138 : memref<1x128xf32, #tpu.memory_space<hbm>> -> memref<128xf32, #tpu.memory_space<hbm>>
    %dma_wait3A_140 = arith.constant 0 : i32
    %dma_wait3A_141 = tpu.memref_slice %arg4[%add3A_84, %dma_wait3A_140] : memref<128x128xf32, #tpu.memory_space<hbm>> -> memref<1x128xf32, #tpu.memory_space<hbm>>
    %dma_wait3A_142 = tpu.memref_squeeze %dma_wait3A_141 : memref<1x128xf32, #tpu.memory_space<hbm>> -> memref<128xf32, #tpu.memory_space<hbm>>
    %dma_wait3A_143 = arith.constant 256 : i32
    %dma_wait3A_144 = tpu.memref_slice %arg9[%dma_wait3A_143] : memref<512xf32, #tpu.memory_space<vmem>> -> memref<128xf32, #tpu.memory_space<vmem>>
    tpu.wait_dma2 semaphore(%arg13 : memref<!tpu.dma_semaphore, #tpu.memory_space<semaphore_mem>>) src(%dma_wait3A_144 : memref<128xf32, #tpu.memory_space<vmem>>) dst(%dma_wait3A_142 : memref<128xf32, #tpu.memory_space<hbm>>)
    %dma_wait3A_145 = arith.constant 384 : i32
    %dma_wait3A_146 = tpu.memref_slice %arg9[%dma_wait3A_145] : memref<512xf32, #tpu.memory_space<vmem>> -> memref<128xf32, #tpu.memory_space<vmem>>
    %dma_wait3A_147 = arith.constant 0 : i32
    %dma_wait3A_148 = tpu.memref_slice %arg4[%add3A_98, %dma_wait3A_147] : memref<128x128xf32, #tpu.memory_space<hbm>> -> memref<1x128xf32, #tpu.memory_space<hbm>>
    %dma_wait3A_149 = tpu.memref_squeeze %dma_wait3A_148 : memref<1x128xf32, #tpu.memory_space<hbm>> -> memref<128xf32, #tpu.memory_space<hbm>>
    %dma_wait3A_150 = arith.constant 0 : i32
    %dma_wait3A_151 = tpu.memref_slice %arg4[%add3A_98, %dma_wait3A_150] : memref<128x128xf32, #tpu.memory_space<hbm>> -> memref<1x128xf32, #tpu.memory_space<hbm>>
    %dma_wait3A_152 = tpu.memref_squeeze %dma_wait3A_151 : memref<1x128xf32, #tpu.memory_space<hbm>> -> memref<128xf32, #tpu.memory_space<hbm>>
    %dma_wait3A_153 = arith.constant 384 : i32
    %dma_wait3A_154 = tpu.memref_slice %arg9[%dma_wait3A_153] : memref<512xf32, #tpu.memory_space<vmem>> -> memref<128xf32, #tpu.memory_space<vmem>>
    tpu.wait_dma2 semaphore(%arg13 : memref<!tpu.dma_semaphore, #tpu.memory_space<semaphore_mem>>) src(%dma_wait3A_154 : memref<128xf32, #tpu.memory_space<vmem>>) dst(%dma_wait3A_152 : memref<128xf32, #tpu.memory_space<hbm>>)
    %dma_wait3A_155 = arith.constant 0 : i32
    %dma_wait3A_156 = tpu.memref_slice %arg5[%add3A, %dma_wait3A_155] : memref<32x128xf32, #tpu.memory_space<hbm>> -> memref<1x128xf32, #tpu.memory_space<hbm>>
    %dma_wait3A_157 = tpu.memref_squeeze %dma_wait3A_156 : memref<1x128xf32, #tpu.memory_space<hbm>> -> memref<128xf32, #tpu.memory_space<hbm>>
    %dma_wait3A_158 = arith.constant 0 : i32
    %dma_wait3A_159 = tpu.memref_slice %arg5[%add3A, %dma_wait3A_158] : memref<32x128xf32, #tpu.memory_space<hbm>> -> memref<1x128xf32, #tpu.memory_space<hbm>>
    %dma_wait3A_160 = tpu.memref_squeeze %dma_wait3A_159 : memref<1x128xf32, #tpu.memory_space<hbm>> -> memref<128xf32, #tpu.memory_space<hbm>>
    tpu.wait_dma2 semaphore(%arg13 : memref<!tpu.dma_semaphore, #tpu.memory_space<semaphore_mem>>) src(%arg10 : memref<128xf32, #tpu.memory_space<vmem>>) dst(%dma_wait3A_160 : memref<128xf32, #tpu.memory_space<hbm>>)
    return
  }
}

module attributes {stable_mosaic.version = 14 : i64} {
  func.func @_combine_body(%arg0: memref<128x128xf32, #tpu.memory_space<vmem>>, %arg1: memref<32x128xf32, #tpu.memory_space<vmem>>, %arg2: memref<1x1xf32, #tpu.memory_space<smem>>) attributes {dimension_semantics = [], scalar_prefetch = 0 : i64, scratch_operands = 0 : i64, tpu.core_type = #tpu.core_type<tc>} {
    %get3A = arith.constant 0 : index
    %get3A_0 = arith.constant 0 : index
    %get3A_1 = vector.load %arg0[%get3A, %get3A_0] : memref<128x128xf32, #tpu.memory_space<vmem>>, vector<128x128xf32>
    %iota3A = tpu.iota {dimensions = array<i32: 0>} : vector<128x128xi32>
    %iota3A_2 = tpu.iota {dimensions = array<i32: 1>} : vector<1x128xi32>
    %jit3A = arith.constant 4 : i32
    %eq3A = arith.constant 0 : i32
    %eq3A_3 = arith.cmpi eq, %jit3A, %eq3A : i32
    %jit3A_4 = arith.constant 1 : i32
    %select_n3A = arith.select %eq3A_3, %jit3A_4, %jit3A : i32
    %rem3A = vector.broadcast %select_n3A : i32 to vector<128x128xi32>
    %rem3A_5 = arith.remsi %iota3A, %rem3A : vector<128x128xi32>
    %ne3A = arith.constant 0 : i32
    %ne3A_6 = vector.broadcast %ne3A : i32 to vector<128x128xi32>
    %ne3A_7 = arith.cmpi ne, %rem3A_5, %ne3A_6 : vector<128x128xi32>
    %lt3A = arith.constant 0 : i32
    %lt3A_8 = vector.broadcast %lt3A : i32 to vector<128x128xi32>
    %lt3A_9 = arith.cmpi slt, %rem3A_5, %lt3A_8 : vector<128x128xi32>
    %lt3A_10 = arith.constant 0 : i32
    %lt3A_11 = arith.cmpi slt, %select_n3A, %lt3A_10 : i32
    %ne3A_12 = vector.broadcast %lt3A_11 : i1 to vector<128x128xi1>
    %ne3A_13 = vector.broadcast %ne3A_12 : vector<128x128xi1> to vector<128x128xi1>
    %ne3A_14 = arith.xori %lt3A_9, %ne3A_13 : vector<128x128xi1>
    %and3A = arith.andi %ne3A_14, %ne3A_7 : vector<128x128xi1>
    %add3A = vector.broadcast %select_n3A : i32 to vector<128x128xi32>
    %add3A_15 = arith.addi %rem3A_5, %add3A : vector<128x128xi32>
    %select_n3A_16 = arith.select %and3A, %add3A_15, %rem3A_5 : vector<128x128xi1>, vector<128x128xi32>
    %eq3A_17 = arith.constant 0 : i32
    %eq3A_18 = vector.broadcast %eq3A_17 : i32 to vector<128x128xi32>
    %eq3A_19 = arith.cmpi eq, %select_n3A_16, %eq3A_18 : vector<128x128xi32>
    %jit3A_20 = arith.constant -1.000000e+00 : f32
    %broadcast_in_dim3A = vector.broadcast %jit3A_20 : f32 to vector<128x128xf32>
    %select_n3A_21 = arith.select %eq3A_19, %get3A_1, %broadcast_in_dim3A : vector<128x128xi1>, vector<128x128xf32>
    %reduce_max3A = arith.constant dense<0xFF800000> : vector<128xf32>
    %reduce_max3A_22 = vector.multi_reduction <maximumf>, %select_n3A_21, %reduce_max3A [0] : vector<128x128xf32> to vector<128xf32>
    %broadcast_in_dim3A_23 = vector.shape_cast %reduce_max3A_22 : vector<128xf32> to vector<1x128xf32>
    %ge3A = arith.constant 0.000000e+00 : f32
    %ge3A_24 = vector.broadcast %ge3A : f32 to vector<1x128xf32>
    %ge3A_25 = arith.cmpf oge, %broadcast_in_dim3A_23, %ge3A_24 : vector<1x128xf32>
    %add3A_26 = arith.constant 0 : i32
    %add3A_27 = vector.broadcast %add3A_26 : i32 to vector<1x128xi32>
    %add3A_28 = arith.addi %iota3A_2, %add3A_27 : vector<1x128xi32>
    %ge3A_29 = arith.constant 1 : i32
    %ge3A_30 = vector.broadcast %ge3A_29 : i32 to vector<1x128xi32>
    %ge3A_31 = arith.cmpi sge, %add3A_28, %ge3A_30 : vector<1x128xi32>
    %and3A_32 = arith.andi %ge3A_25, %ge3A_31 : vector<1x128xi1>
    %sub3A = arith.constant 1.000000e+00 : f32
    %sub3A_33 = vector.broadcast %sub3A : f32 to vector<1x128xf32>
    %sub3A_34 = arith.subf %sub3A_33, %broadcast_in_dim3A_23 : vector<1x128xf32>
    %jit3A_35 = arith.constant 0.000000e+00 : f32
    %broadcast_in_dim3A_36 = vector.broadcast %jit3A_35 : f32 to vector<1x128xf32>
    %select_n3A_37 = arith.select %and3A_32, %sub3A_34, %broadcast_in_dim3A_36 : vector<1x128xi1>, vector<1x128xf32>
    %reduce_sum3A = vector.shape_cast %select_n3A_37 : vector<1x128xf32> to vector<1x1x128xf32>
    %reduce_sum3A_38 = arith.constant dense<0.000000e+00> : vector<1xf32>
    %reduce_sum3A_39 = vector.multi_reduction <add>, %reduce_sum3A, %reduce_sum3A_38 [1, 2] : vector<1x1x128xf32> to vector<1xf32>
    %reduce_sum3A_40 = vector.shape_cast %reduce_sum3A_39 : vector<1xf32> to vector<1x1x1xf32>
    %reduce_sum3A_41 = vector.extract %reduce_sum3A_40[0, 0, 0] : f32 from vector<1x1x1xf32>
    %add3A_42 = arith.constant 0.000000e+00 : f32
    %add3A_43 = arith.addf %add3A_42, %reduce_sum3A_41 : f32
    %convert_element_type3A = arith.extui %and3A_32 : vector<1x128xi1> to vector<1x128xi32>
    %convert_element_type3A_44 = arith.sitofp %convert_element_type3A : vector<1x128xi32> to vector<1x128xf32>
    %reduce_sum3A_45 = vector.shape_cast %convert_element_type3A_44 : vector<1x128xf32> to vector<1x1x128xf32>
    %reduce_sum3A_46 = arith.constant dense<0.000000e+00> : vector<1xf32>
    %reduce_sum3A_47 = vector.multi_reduction <add>, %reduce_sum3A_45, %reduce_sum3A_46 [1, 2] : vector<1x1x128xf32> to vector<1xf32>
    %reduce_sum3A_48 = vector.shape_cast %reduce_sum3A_47 : vector<1xf32> to vector<1x1x1xf32>
    %reduce_sum3A_49 = vector.extract %reduce_sum3A_48[0, 0, 0] : f32 from vector<1x1x1xf32>
    %add3A_50 = arith.constant 0.000000e+00 : f32
    %add3A_51 = arith.addf %add3A_50, %reduce_sum3A_49 : f32
    %jit3A_52 = arith.constant 4 : i32
    %eq3A_53 = arith.constant 0 : i32
    %eq3A_54 = arith.cmpi eq, %jit3A_52, %eq3A_53 : i32
    %jit3A_55 = arith.constant 1 : i32
    %select_n3A_56 = arith.select %eq3A_54, %jit3A_55, %jit3A_52 : i32
    %rem3A_57 = vector.broadcast %select_n3A_56 : i32 to vector<128x128xi32>
    %rem3A_58 = arith.remsi %iota3A, %rem3A_57 : vector<128x128xi32>
    %ne3A_59 = arith.constant 0 : i32
    %ne3A_60 = vector.broadcast %ne3A_59 : i32 to vector<128x128xi32>
    %ne3A_61 = arith.cmpi ne, %rem3A_58, %ne3A_60 : vector<128x128xi32>
    %lt3A_62 = arith.constant 0 : i32
    %lt3A_63 = vector.broadcast %lt3A_62 : i32 to vector<128x128xi32>
    %lt3A_64 = arith.cmpi slt, %rem3A_58, %lt3A_63 : vector<128x128xi32>
    %lt3A_65 = arith.constant 0 : i32
    %lt3A_66 = arith.cmpi slt, %select_n3A_56, %lt3A_65 : i32
    %ne3A_67 = vector.broadcast %lt3A_66 : i1 to vector<128x128xi1>
    %ne3A_68 = vector.broadcast %ne3A_67 : vector<128x128xi1> to vector<128x128xi1>
    %ne3A_69 = arith.xori %lt3A_64, %ne3A_68 : vector<128x128xi1>
    %and3A_70 = arith.andi %ne3A_69, %ne3A_61 : vector<128x128xi1>
    %add3A_71 = vector.broadcast %select_n3A_56 : i32 to vector<128x128xi32>
    %add3A_72 = arith.addi %rem3A_58, %add3A_71 : vector<128x128xi32>
    %select_n3A_73 = arith.select %and3A_70, %add3A_72, %rem3A_58 : vector<128x128xi1>, vector<128x128xi32>
    %eq3A_74 = arith.constant 1 : i32
    %eq3A_75 = vector.broadcast %eq3A_74 : i32 to vector<128x128xi32>
    %eq3A_76 = arith.cmpi eq, %select_n3A_73, %eq3A_75 : vector<128x128xi32>
    %jit3A_77 = arith.constant -1.000000e+00 : f32
    %broadcast_in_dim3A_78 = vector.broadcast %jit3A_77 : f32 to vector<128x128xf32>
    %select_n3A_79 = arith.select %eq3A_76, %get3A_1, %broadcast_in_dim3A_78 : vector<128x128xi1>, vector<128x128xf32>
    %reduce_max3A_80 = arith.constant dense<0xFF800000> : vector<128xf32>
    %reduce_max3A_81 = vector.multi_reduction <maximumf>, %select_n3A_79, %reduce_max3A_80 [0] : vector<128x128xf32> to vector<128xf32>
    %broadcast_in_dim3A_82 = vector.shape_cast %reduce_max3A_81 : vector<128xf32> to vector<1x128xf32>
    %ge3A_83 = arith.constant 0.000000e+00 : f32
    %ge3A_84 = vector.broadcast %ge3A_83 : f32 to vector<1x128xf32>
    %ge3A_85 = arith.cmpf oge, %broadcast_in_dim3A_82, %ge3A_84 : vector<1x128xf32>
    %add3A_86 = arith.constant 128 : i32
    %add3A_87 = vector.broadcast %add3A_86 : i32 to vector<1x128xi32>
    %add3A_88 = arith.addi %iota3A_2, %add3A_87 : vector<1x128xi32>
    %ge3A_89 = arith.constant 1 : i32
    %ge3A_90 = vector.broadcast %ge3A_89 : i32 to vector<1x128xi32>
    %ge3A_91 = arith.cmpi sge, %add3A_88, %ge3A_90 : vector<1x128xi32>
    %and3A_92 = arith.andi %ge3A_85, %ge3A_91 : vector<1x128xi1>
    %sub3A_93 = arith.constant 1.000000e+00 : f32
    %sub3A_94 = vector.broadcast %sub3A_93 : f32 to vector<1x128xf32>
    %sub3A_95 = arith.subf %sub3A_94, %broadcast_in_dim3A_82 : vector<1x128xf32>
    %jit3A_96 = arith.constant 0.000000e+00 : f32
    %broadcast_in_dim3A_97 = vector.broadcast %jit3A_96 : f32 to vector<1x128xf32>
    %select_n3A_98 = arith.select %and3A_92, %sub3A_95, %broadcast_in_dim3A_97 : vector<1x128xi1>, vector<1x128xf32>
    %reduce_sum3A_99 = vector.shape_cast %select_n3A_98 : vector<1x128xf32> to vector<1x1x128xf32>
    %reduce_sum3A_100 = arith.constant dense<0.000000e+00> : vector<1xf32>
    %reduce_sum3A_101 = vector.multi_reduction <add>, %reduce_sum3A_99, %reduce_sum3A_100 [1, 2] : vector<1x1x128xf32> to vector<1xf32>
    %reduce_sum3A_102 = vector.shape_cast %reduce_sum3A_101 : vector<1xf32> to vector<1x1x1xf32>
    %reduce_sum3A_103 = vector.extract %reduce_sum3A_102[0, 0, 0] : f32 from vector<1x1x1xf32>
    %add3A_104 = arith.addf %add3A_43, %reduce_sum3A_103 : f32
    %convert_element_type3A_105 = arith.extui %and3A_92 : vector<1x128xi1> to vector<1x128xi32>
    %convert_element_type3A_106 = arith.sitofp %convert_element_type3A_105 : vector<1x128xi32> to vector<1x128xf32>
    %reduce_sum3A_107 = vector.shape_cast %convert_element_type3A_106 : vector<1x128xf32> to vector<1x1x128xf32>
    %reduce_sum3A_108 = arith.constant dense<0.000000e+00> : vector<1xf32>
    %reduce_sum3A_109 = vector.multi_reduction <add>, %reduce_sum3A_107, %reduce_sum3A_108 [1, 2] : vector<1x1x128xf32> to vector<1xf32>
    %reduce_sum3A_110 = vector.shape_cast %reduce_sum3A_109 : vector<1xf32> to vector<1x1x1xf32>
    %reduce_sum3A_111 = vector.extract %reduce_sum3A_110[0, 0, 0] : f32 from vector<1x1x1xf32>
    %add3A_112 = arith.addf %add3A_51, %reduce_sum3A_111 : f32
    %jit3A_113 = arith.constant 4 : i32
    %eq3A_114 = arith.constant 0 : i32
    %eq3A_115 = arith.cmpi eq, %jit3A_113, %eq3A_114 : i32
    %jit3A_116 = arith.constant 1 : i32
    %select_n3A_117 = arith.select %eq3A_115, %jit3A_116, %jit3A_113 : i32
    %rem3A_118 = vector.broadcast %select_n3A_117 : i32 to vector<128x128xi32>
    %rem3A_119 = arith.remsi %iota3A, %rem3A_118 : vector<128x128xi32>
    %ne3A_120 = arith.constant 0 : i32
    %ne3A_121 = vector.broadcast %ne3A_120 : i32 to vector<128x128xi32>
    %ne3A_122 = arith.cmpi ne, %rem3A_119, %ne3A_121 : vector<128x128xi32>
    %lt3A_123 = arith.constant 0 : i32
    %lt3A_124 = vector.broadcast %lt3A_123 : i32 to vector<128x128xi32>
    %lt3A_125 = arith.cmpi slt, %rem3A_119, %lt3A_124 : vector<128x128xi32>
    %lt3A_126 = arith.constant 0 : i32
    %lt3A_127 = arith.cmpi slt, %select_n3A_117, %lt3A_126 : i32
    %ne3A_128 = vector.broadcast %lt3A_127 : i1 to vector<128x128xi1>
    %ne3A_129 = vector.broadcast %ne3A_128 : vector<128x128xi1> to vector<128x128xi1>
    %ne3A_130 = arith.xori %lt3A_125, %ne3A_129 : vector<128x128xi1>
    %and3A_131 = arith.andi %ne3A_130, %ne3A_122 : vector<128x128xi1>
    %add3A_132 = vector.broadcast %select_n3A_117 : i32 to vector<128x128xi32>
    %add3A_133 = arith.addi %rem3A_119, %add3A_132 : vector<128x128xi32>
    %select_n3A_134 = arith.select %and3A_131, %add3A_133, %rem3A_119 : vector<128x128xi1>, vector<128x128xi32>
    %eq3A_135 = arith.constant 2 : i32
    %eq3A_136 = vector.broadcast %eq3A_135 : i32 to vector<128x128xi32>
    %eq3A_137 = arith.cmpi eq, %select_n3A_134, %eq3A_136 : vector<128x128xi32>
    %jit3A_138 = arith.constant -1.000000e+00 : f32
    %broadcast_in_dim3A_139 = vector.broadcast %jit3A_138 : f32 to vector<128x128xf32>
    %select_n3A_140 = arith.select %eq3A_137, %get3A_1, %broadcast_in_dim3A_139 : vector<128x128xi1>, vector<128x128xf32>
    %reduce_max3A_141 = arith.constant dense<0xFF800000> : vector<128xf32>
    %reduce_max3A_142 = vector.multi_reduction <maximumf>, %select_n3A_140, %reduce_max3A_141 [0] : vector<128x128xf32> to vector<128xf32>
    %broadcast_in_dim3A_143 = vector.shape_cast %reduce_max3A_142 : vector<128xf32> to vector<1x128xf32>
    %ge3A_144 = arith.constant 0.000000e+00 : f32
    %ge3A_145 = vector.broadcast %ge3A_144 : f32 to vector<1x128xf32>
    %ge3A_146 = arith.cmpf oge, %broadcast_in_dim3A_143, %ge3A_145 : vector<1x128xf32>
    %add3A_147 = arith.constant 256 : i32
    %add3A_148 = vector.broadcast %add3A_147 : i32 to vector<1x128xi32>
    %add3A_149 = arith.addi %iota3A_2, %add3A_148 : vector<1x128xi32>
    %ge3A_150 = arith.constant 1 : i32
    %ge3A_151 = vector.broadcast %ge3A_150 : i32 to vector<1x128xi32>
    %ge3A_152 = arith.cmpi sge, %add3A_149, %ge3A_151 : vector<1x128xi32>
    %and3A_153 = arith.andi %ge3A_146, %ge3A_152 : vector<1x128xi1>
    %sub3A_154 = arith.constant 1.000000e+00 : f32
    %sub3A_155 = vector.broadcast %sub3A_154 : f32 to vector<1x128xf32>
    %sub3A_156 = arith.subf %sub3A_155, %broadcast_in_dim3A_143 : vector<1x128xf32>
    %jit3A_157 = arith.constant 0.000000e+00 : f32
    %broadcast_in_dim3A_158 = vector.broadcast %jit3A_157 : f32 to vector<1x128xf32>
    %select_n3A_159 = arith.select %and3A_153, %sub3A_156, %broadcast_in_dim3A_158 : vector<1x128xi1>, vector<1x128xf32>
    %reduce_sum3A_160 = vector.shape_cast %select_n3A_159 : vector<1x128xf32> to vector<1x1x128xf32>
    %reduce_sum3A_161 = arith.constant dense<0.000000e+00> : vector<1xf32>
    %reduce_sum3A_162 = vector.multi_reduction <add>, %reduce_sum3A_160, %reduce_sum3A_161 [1, 2] : vector<1x1x128xf32> to vector<1xf32>
    %reduce_sum3A_163 = vector.shape_cast %reduce_sum3A_162 : vector<1xf32> to vector<1x1x1xf32>
    %reduce_sum3A_164 = vector.extract %reduce_sum3A_163[0, 0, 0] : f32 from vector<1x1x1xf32>
    %add3A_165 = arith.addf %add3A_104, %reduce_sum3A_164 : f32
    %convert_element_type3A_166 = arith.extui %and3A_153 : vector<1x128xi1> to vector<1x128xi32>
    %convert_element_type3A_167 = arith.sitofp %convert_element_type3A_166 : vector<1x128xi32> to vector<1x128xf32>
    %reduce_sum3A_168 = vector.shape_cast %convert_element_type3A_167 : vector<1x128xf32> to vector<1x1x128xf32>
    %reduce_sum3A_169 = arith.constant dense<0.000000e+00> : vector<1xf32>
    %reduce_sum3A_170 = vector.multi_reduction <add>, %reduce_sum3A_168, %reduce_sum3A_169 [1, 2] : vector<1x1x128xf32> to vector<1xf32>
    %reduce_sum3A_171 = vector.shape_cast %reduce_sum3A_170 : vector<1xf32> to vector<1x1x1xf32>
    %reduce_sum3A_172 = vector.extract %reduce_sum3A_171[0, 0, 0] : f32 from vector<1x1x1xf32>
    %add3A_173 = arith.addf %add3A_112, %reduce_sum3A_172 : f32
    %jit3A_174 = arith.constant 4 : i32
    %eq3A_175 = arith.constant 0 : i32
    %eq3A_176 = arith.cmpi eq, %jit3A_174, %eq3A_175 : i32
    %jit3A_177 = arith.constant 1 : i32
    %select_n3A_178 = arith.select %eq3A_176, %jit3A_177, %jit3A_174 : i32
    %rem3A_179 = vector.broadcast %select_n3A_178 : i32 to vector<128x128xi32>
    %rem3A_180 = arith.remsi %iota3A, %rem3A_179 : vector<128x128xi32>
    %ne3A_181 = arith.constant 0 : i32
    %ne3A_182 = vector.broadcast %ne3A_181 : i32 to vector<128x128xi32>
    %ne3A_183 = arith.cmpi ne, %rem3A_180, %ne3A_182 : vector<128x128xi32>
    %lt3A_184 = arith.constant 0 : i32
    %lt3A_185 = vector.broadcast %lt3A_184 : i32 to vector<128x128xi32>
    %lt3A_186 = arith.cmpi slt, %rem3A_180, %lt3A_185 : vector<128x128xi32>
    %lt3A_187 = arith.constant 0 : i32
    %lt3A_188 = arith.cmpi slt, %select_n3A_178, %lt3A_187 : i32
    %ne3A_189 = vector.broadcast %lt3A_188 : i1 to vector<128x128xi1>
    %ne3A_190 = vector.broadcast %ne3A_189 : vector<128x128xi1> to vector<128x128xi1>
    %ne3A_191 = arith.xori %lt3A_186, %ne3A_190 : vector<128x128xi1>
    %and3A_192 = arith.andi %ne3A_191, %ne3A_183 : vector<128x128xi1>
    %add3A_193 = vector.broadcast %select_n3A_178 : i32 to vector<128x128xi32>
    %add3A_194 = arith.addi %rem3A_180, %add3A_193 : vector<128x128xi32>
    %select_n3A_195 = arith.select %and3A_192, %add3A_194, %rem3A_180 : vector<128x128xi1>, vector<128x128xi32>
    %eq3A_196 = arith.constant 3 : i32
    %eq3A_197 = vector.broadcast %eq3A_196 : i32 to vector<128x128xi32>
    %eq3A_198 = arith.cmpi eq, %select_n3A_195, %eq3A_197 : vector<128x128xi32>
    %jit3A_199 = arith.constant -1.000000e+00 : f32
    %broadcast_in_dim3A_200 = vector.broadcast %jit3A_199 : f32 to vector<128x128xf32>
    %select_n3A_201 = arith.select %eq3A_198, %get3A_1, %broadcast_in_dim3A_200 : vector<128x128xi1>, vector<128x128xf32>
    %reduce_max3A_202 = arith.constant dense<0xFF800000> : vector<128xf32>
    %reduce_max3A_203 = vector.multi_reduction <maximumf>, %select_n3A_201, %reduce_max3A_202 [0] : vector<128x128xf32> to vector<128xf32>
    %broadcast_in_dim3A_204 = vector.shape_cast %reduce_max3A_203 : vector<128xf32> to vector<1x128xf32>
    %ge3A_205 = arith.constant 0.000000e+00 : f32
    %ge3A_206 = vector.broadcast %ge3A_205 : f32 to vector<1x128xf32>
    %ge3A_207 = arith.cmpf oge, %broadcast_in_dim3A_204, %ge3A_206 : vector<1x128xf32>
    %add3A_208 = arith.constant 384 : i32
    %add3A_209 = vector.broadcast %add3A_208 : i32 to vector<1x128xi32>
    %add3A_210 = arith.addi %iota3A_2, %add3A_209 : vector<1x128xi32>
    %ge3A_211 = arith.constant 1 : i32
    %ge3A_212 = vector.broadcast %ge3A_211 : i32 to vector<1x128xi32>
    %ge3A_213 = arith.cmpi sge, %add3A_210, %ge3A_212 : vector<1x128xi32>
    %and3A_214 = arith.andi %ge3A_207, %ge3A_213 : vector<1x128xi1>
    %sub3A_215 = arith.constant 1.000000e+00 : f32
    %sub3A_216 = vector.broadcast %sub3A_215 : f32 to vector<1x128xf32>
    %sub3A_217 = arith.subf %sub3A_216, %broadcast_in_dim3A_204 : vector<1x128xf32>
    %jit3A_218 = arith.constant 0.000000e+00 : f32
    %broadcast_in_dim3A_219 = vector.broadcast %jit3A_218 : f32 to vector<1x128xf32>
    %select_n3A_220 = arith.select %and3A_214, %sub3A_217, %broadcast_in_dim3A_219 : vector<1x128xi1>, vector<1x128xf32>
    %reduce_sum3A_221 = vector.shape_cast %select_n3A_220 : vector<1x128xf32> to vector<1x1x128xf32>
    %reduce_sum3A_222 = arith.constant dense<0.000000e+00> : vector<1xf32>
    %reduce_sum3A_223 = vector.multi_reduction <add>, %reduce_sum3A_221, %reduce_sum3A_222 [1, 2] : vector<1x1x128xf32> to vector<1xf32>
    %reduce_sum3A_224 = vector.shape_cast %reduce_sum3A_223 : vector<1xf32> to vector<1x1x1xf32>
    %reduce_sum3A_225 = vector.extract %reduce_sum3A_224[0, 0, 0] : f32 from vector<1x1x1xf32>
    %add3A_226 = arith.addf %add3A_165, %reduce_sum3A_225 : f32
    %convert_element_type3A_227 = arith.extui %and3A_214 : vector<1x128xi1> to vector<1x128xi32>
    %convert_element_type3A_228 = arith.sitofp %convert_element_type3A_227 : vector<1x128xi32> to vector<1x128xf32>
    %reduce_sum3A_229 = vector.shape_cast %convert_element_type3A_228 : vector<1x128xf32> to vector<1x1x128xf32>
    %reduce_sum3A_230 = arith.constant dense<0.000000e+00> : vector<1xf32>
    %reduce_sum3A_231 = vector.multi_reduction <add>, %reduce_sum3A_229, %reduce_sum3A_230 [1, 2] : vector<1x1x128xf32> to vector<1xf32>
    %reduce_sum3A_232 = vector.shape_cast %reduce_sum3A_231 : vector<1xf32> to vector<1x1x1xf32>
    %reduce_sum3A_233 = vector.extract %reduce_sum3A_232[0, 0, 0] : f32 from vector<1x1x1xf32>
    %add3A_234 = arith.addf %add3A_173, %reduce_sum3A_233 : f32
    %get3A_235 = arith.constant 0 : index
    %get3A_236 = arith.constant 0 : index
    %get3A_237 = vector.load %arg1[%get3A_235, %get3A_236] : memref<32x128xf32, #tpu.memory_space<vmem>>, vector<32x128xf32>
    %iota3A_238 = tpu.iota {dimensions = array<i32: 1>} : vector<32x128xi32>
    %lt3A_239 = arith.constant 16 : i32
    %lt3A_240 = vector.broadcast %lt3A_239 : i32 to vector<32x128xi32>
    %lt3A_241 = arith.cmpi slt, %iota3A_238, %lt3A_240 : vector<32x128xi32>
    %jit3A_242 = arith.constant 0.000000e+00 : f32
    %broadcast_in_dim3A_243 = vector.broadcast %jit3A_242 : f32 to vector<32x128xf32>
    %select_n3A_244 = arith.select %lt3A_241, %get3A_237, %broadcast_in_dim3A_243 : vector<32x128xi1>, vector<32x128xf32>
    %reduce_sum3A_245 = vector.shape_cast %select_n3A_244 : vector<32x128xf32> to vector<1x32x128xf32>
    %reduce_sum3A_246 = arith.constant dense<0.000000e+00> : vector<1xf32>
    %reduce_sum3A_247 = vector.multi_reduction <add>, %reduce_sum3A_245, %reduce_sum3A_246 [1, 2] : vector<1x32x128xf32> to vector<1xf32>
    %reduce_sum3A_248 = vector.shape_cast %reduce_sum3A_247 : vector<1xf32> to vector<1x1x1xf32>
    %reduce_sum3A_249 = vector.extract %reduce_sum3A_248[0, 0, 0] : f32 from vector<1x1x1xf32>
    %ge3A_250 = arith.constant 16 : i32
    %ge3A_251 = vector.broadcast %ge3A_250 : i32 to vector<32x128xi32>
    %ge3A_252 = arith.cmpi sge, %iota3A_238, %ge3A_251 : vector<32x128xi32>
    %lt3A_253 = arith.constant 32 : i32
    %lt3A_254 = vector.broadcast %lt3A_253 : i32 to vector<32x128xi32>
    %lt3A_255 = arith.cmpi slt, %iota3A_238, %lt3A_254 : vector<32x128xi32>
    %and3A_256 = arith.andi %ge3A_252, %lt3A_255 : vector<32x128xi1>
    %jit3A_257 = arith.constant 0.000000e+00 : f32
    %broadcast_in_dim3A_258 = vector.broadcast %jit3A_257 : f32 to vector<32x128xf32>
    %select_n3A_259 = arith.select %and3A_256, %get3A_237, %broadcast_in_dim3A_258 : vector<32x128xi1>, vector<32x128xf32>
    %reduce_sum3A_260 = vector.shape_cast %select_n3A_259 : vector<32x128xf32> to vector<1x32x128xf32>
    %reduce_sum3A_261 = arith.constant dense<0.000000e+00> : vector<1xf32>
    %reduce_sum3A_262 = vector.multi_reduction <add>, %reduce_sum3A_260, %reduce_sum3A_261 [1, 2] : vector<1x32x128xf32> to vector<1xf32>
    %reduce_sum3A_263 = vector.shape_cast %reduce_sum3A_262 : vector<1xf32> to vector<1x1x1xf32>
    %reduce_sum3A_264 = vector.extract %reduce_sum3A_263[0, 0, 0] : f32 from vector<1x1x1xf32>
    %div3A = arith.divf %add3A_226, %add3A_234 : f32
    %max3A = arith.constant 1.000000e+00 : f32
    %max3A_265 = arith.maximumf %reduce_sum3A_264, %max3A : f32
    %div3A_266 = arith.divf %reduce_sum3A_249, %max3A_265 : f32
    %gt3A = arith.constant 5.000000e-01 : f32
    %gt3A_267 = arith.cmpf ogt, %reduce_sum3A_264, %gt3A : f32
    %mul3A = arith.constant 1.000000e-01 : f32
    %mul3A_268 = arith.mulf %mul3A, %div3A_266 : f32
    %add3A_269 = arith.addf %div3A, %mul3A_268 : f32
    %select_n3A_270 = arith.select %gt3A_267, %add3A_269, %div3A : f32
    %swap3A = arith.constant 0 : index
    %swap3A_271 = arith.constant 0 : index
    %swap3A_272 = memref.load %arg2[%swap3A, %swap3A_271] : memref<1x1xf32, #tpu.memory_space<smem>>
    memref.store %select_n3A_270, %arg2[%swap3A, %swap3A_271] : memref<1x1xf32, #tpu.memory_space<smem>>
    return
  }
}

</mosaic_0001>

<sc_bundles>
// kernel: kernel.4.cloned.1.call-start
scs
__scs_entry_jumppad:
0x0: {  	(pc) =	sbr.rel $0x88, $3  }
0x1: {  	(tag) =	ssettag $0x0;
	lr =	simm.s32 $0x1  }
0x2: {  	[smem:$0x3F9F] =	sst lr;
	_ =	strace $0xD0000000  }
0x3: {  	_ = 	snop  }
0x4: {  	_ = 	snop  }
0x5: {  	_ = 	snop  }
0x6: {  	_ = 	snop  }
0x7: {  	_ = 	snop  }
__scs_overlays_trampoline_lowered:
0x8: {  	[smem:$0x3FAE] =	sst s0  }
0x9: {  	[smem:$0x3FAF] =	sst s1  }
0xa: {  	[smem:$0x3FB0] =	sst s2  }
0xb: {  	[smem:$0x3FB1] =	sst s3  }
0xc: {  	[smem:$0x3FB2] =	sst s4  }
0xd: {  	[smem:$0x3FB3] =	sst s5  }
0xe: {  	[smem:$0x3FB4] =	sst s6  }
0xf: {  	[smem:$0x3FB5] =	sst s7  }
0x10: {  	[smem:$0x3FB6] =	sst s8  }
0x11: {  	[smem:$0x3FB7] =	sst s9;
	s0 =	simm.s32 @!p0 $0x0  }
0x12: {  	s1 =	sld [smem:$0x3F9D];
	s0 =	simm.s32 @p0 $0x1  }
0x13: {  	[smem:$0x3FB8] =	sst s0;
	s0 =	simm.s32 @!p1 $0x0  }
0x14: {  	s2 =	sld [smem:$0x3F9C];
	s0 =	simm.s32 @p1 $0x1  }
0x15: {  	[smem:$0x3FB9] =	sst s0;
	s0 =	simm.s32 @!p2 $0x0  }
0x16: {  	s3 =	sld [smem:$0x3FDB];
	s0 =	simm.s32 @p2 $0x1  }
0x17: {  	s4 =	simm.s32 $0x1BF5;
	[smem:$0x3FBB] =	sst s0  }
0x18: {  	s0 =	sld [smem:$0x3F9E];
	_ =	swait.ge [sflag:s4], $0x0  }
0x19: {  	s7 =	sld [smem:$0x3F9F]  }
0x1a: {  	s8 =	sadd.s32 $0xFFFFE003, lr  }
0x1b: {  	s9 =	sadd.s32 $0xFFFFFEF7, lr;
	s5 =	simm.s32 $0xFFFFFFFF;
	p2 =	slt.u32 s8, $0xFFFFF086  }
0x1c: {  	p1 =	slt.u32 s9, $0xF7A;
	s5 =	simm.s32 @!p2 $0x0  }
0x1d: {  	s5 =	simm.s32 @p1 $0x1;
	p0 =	seq.s32 s7, s2  }
0x1e: {  	s7 =	smul.u32 @!p0 $0xF7A, s2;
	p2 =	seq.s32 @!p0 s5, $0x0  }
0x1f: {  	s9 =	smul.u32 $0xF7A, s1;
	s8 =	simm.s32 @!p0 $0x1BF5;
	p2 =	por !p2, p0  }
0x20: {  	[sflag:s8] =	ssyncset.s32 @!p0 $0xFFFFF086;
	s6 =	sadd.s32 @!p0 s3, s7;
	s7 =	simm.s32 @!p0 $0x108  }
0x21: {  	s3 =	sadd.s32 s3, s9;
	s6 =	sadd.s32 @!p0 $0x88, s6;
	s7 =	simm.s32 @p2 $0x1082  }
0x22: {  	[simem:s7], [sflag:s8] =	dma.local @!p0 [hbm:s6], $0xF7A  }
0x23: {  	s9 =	sor.u32 $0xD0000000, s2;
	s6 =	simm.s32 $0x108;
	_ =	swait.ge @!p0 [sflag:s8], $0x0  }
0x24: {  	s3 =	sadd.s32 $0x88, s3;
	s6 =	simm.s32 @!p1 $0x1082;
	[sflag:s4] =	ssyncset.s32 $0xFFFFF086  }
0x25: {  	[simem:s6], [sflag:s4] =	dma.local [hbm:s3], $0xF7A  }
0x26: {  	[smem:$0x3F9F] =	sst s1;
	(tag) =	ssettag s2;
	_ =	strace s9  }
0x27: {  	s1 =	sld [smem:$0x3FAF]  }
0x28: {  	s2 =	sld [smem:$0x3FB0]  }
0x29: {  	s4 =	sld [smem:$0x3FB2]  }
0x2a: {  	p0 =	seq.s32 s5, $0x0;
	s5 =	sld [smem:$0x3FB3]  }
0x2b: {  	s6 =	sld [smem:$0x3FB4]  }
0x2c: {  	s7 =	sld [smem:$0x3FB5]  }
0x2d: {  	s3 =	simm.s32 $0x108;
	s8 =	sld [smem:$0x3FB6]  }
0x2e: {  	s3 =	simm.s32 @!p0 $0x1082;
	s9 =	sld [smem:$0x3FB7]  }
0x2f: {  	lr =	sadd.s32 s0, s3;
	s0 =	sld [smem:$0x3FAE]  }
0x30: {  	s3 =	sld [smem:$0x3FB1]  }
0x31: {  	[smem:$0x3FBA] =	sst s10  }
0x32: {  	s10 =	sld [smem:$0x3FB8];
	_ =	sdelay $0x3  }
0x33: {  	p0 =	seq.s32 s10, $0x1;
	s10 =	sld [smem:$0x3FBA];
	_ =	sdelay $0x3  }
0x34: {  	[smem:$0x3FBA] =	sst s10  }
0x35: {  	s10 =	sld [smem:$0x3FB9];
	_ =	sdelay $0x3  }
0x36: {  	p1 =	seq.s32 s10, $0x1;
	s10 =	sld [smem:$0x3FBA];
	_ =	sdelay $0x3  }
0x37: {  	[smem:$0x3FBA] =	sst s10  }
0x38: {  	s10 =	sld [smem:$0x3FBB]  }
0x39: {  	_ = 	snop;
	(pc) =	sbr.ind lr, $3  }
0x3a: {  	_ = 	snop  }
0x3b: {  	_ = 	snop  }
0x3c: {  	p2 =	seq.s32 s10, $0x1;
	s10 =	sld [smem:$0x3FBA]  }
0x3d: {  	_ =	shalt  }
0x3e: {  	_ =	shalt  }
0x3f: {  	_ =	shalt  }
0x40: {  	_ =	shalt  }
0x41: {  	_ =	shalt  }
0x42: {  	_ =	shalt  }
0x43: {  	_ =	shalt  }
0x44: {  	_ =	shalt  }
0x45: {  	_ =	shalt  }
0x46: {  	_ =	shalt  }
0x47: {  	_ =	shalt  }
0x48: {  	_ =	shalt  }
0x49: {  	_ =	shalt  }
0x4a: {  	_ =	shalt  }
0x4b: {  	_ =	shalt  }
0x4c: {  	_ =	shalt  }
0x4d: {  	_ =	shalt  }
0x4e: {  	_ =	shalt  }
0x4f: {  	_ =	shalt  }
0x50: {  	_ =	shalt  }
0x51: {  	_ =	shalt  }
0x52: {  	_ =	shalt  }
0x53: {  	_ =	shalt  }
0x54: {  	_ =	shalt  }
0x55: {  	_ =	shalt  }
0x56: {  	_ =	shalt  }
0x57: {  	_ =	shalt  }
0x58: {  	_ =	shalt  }
0x59: {  	_ =	shalt  }
0x5a: {  	_ =	shalt  }
0x5b: {  	_ =	shalt  }
0x5c: {  	_ =	shalt  }
0x5d: {  	_ =	shalt  }
0x5e: {  	_ =	shalt  }
0x5f: {  	_ =	shalt  }
0x60: {  	_ =	shalt  }
0x61: {  	_ =	shalt  }
0x62: {  	_ =	shalt  }
0x63: {  	_ =	shalt  }
0x64: {  	_ =	shalt  }
0x65: {  	_ =	shalt  }
0x66: {  	_ =	shalt  }
0x67: {  	_ =	shalt  }
0x68: {  	_ =	shalt  }
0x69: {  	_ =	shalt  }
0x6a: {  	_ =	shalt  }
0x6b: {  	_ =	shalt  }
0x6c: {  	_ =	shalt  }
0x6d: {  	_ =	shalt  }
0x6e: {  	_ =	shalt  }
0x6f: {  	_ =	shalt  }
0x70: {  	_ =	shalt  }
0x71: {  	_ =	shalt  }
0x72: {  	_ =	shalt  }
0x73: {  	_ =	shalt  }
0x74: {  	_ =	shalt  }
0x75: {  	_ =	shalt  }
0x76: {  	_ =	shalt  }
0x77: {  	_ =	shalt  }
0x78: {  	_ =	shalt  }
0x79: {  	_ =	shalt  }
0x7a: {  	_ =	shalt  }
0x7b: {  	_ =	shalt  }
0x7c: {  	_ =	shalt  }
0x7d: {  	_ =	shalt  }
0x7e: {  	_ =	shalt  }
0x7f: {  	_ =	shalt  }
0x80: {  	_ =	shalt  }
0x81: {  	_ =	shalt  }
0x82: {  	_ =	shalt  }
0x83: {  	_ =	shalt  }
0x84: {  	_ =	shalt  }
0x85: {  	_ =	shalt  }
0x86: {  	_ =	shalt  }
0x87: {  	_ =	shalt  }
.Lfunc_end0:
.L_simem_size_0:
called_computation_lowered:
.L_overlay_start_0:
0x88: {  	s2 =	sld [smem:$0x3FD9]  }
0x89: {  	s3 =	sld [smem:$0x3FFE];
	_ =	sdelay $0x1  }
0x8a: {  	s1 =	srdreg.scid  }
0x8b: {  	s0 =	sand.u32 $0x1, s1  }
0x8c: {  	s17 =	sshll.u32 s0, $0xA;
	s2 =	sadd.s32 s3, s2  }
0x8d: {  	s2 =	sadd.s32 s2, s17  }
0x8e: {  	[smem:$0x3FC6] =	sst s2  }
0x8f: {  	_ = 	snop  }
0x90: {  	s2 =	sld [smem:$0x3FC9]  }
0x91: {  	s18 =	sld [smem:$0x3FC8];
	(tm) =	ssettm $0x1  }
0x92: {  	s4 =	sld [smem:$0x3FFB];
	_ =	sdelay $0x3  }
0x93: {  	_ =	strace s4  }
0x94: {  	s4 =	sld [smem:$0x3FFC];
	_ =	sdelay $0x3  }
0x95: {  	_ =	strace s4  }
0x96: {  	s4 =	sld [smem:$0x3FFD];
	_ =	sdelay $0x3  }
0x97: {  	_ =	strace s4  }
0x98: {  	_ =	strace $0x8FFFFFFF  }
0x99: {  	s19 =	sld [smem:$0x3FDB];
	_ =	sdelay $0x1  }
0x9a: {  	s5 =	simm.s32 $_scs_section_size  }
0x9b: {  	s6 =	simm.s32 $_size__tile_overlayer_lowered;
	s7 =	simm.s32 $_tile_overlayer_lowered  }
0x9c: {  	s22 =	simm.s32 $0x1BFF;
	s21 =	sshll.u32 s7, $0x1;
	s4 =	sadd.s32 s5, s19  }
0x9d: {  	s8 =	simm.s32 $0x0;
	s20 =	sshll.u32 s6, $0x1;
	s6 =	sadd.s32 s21, s4  }
0x9e: {  	[timem:s8], [sflag:s22] =	dma.local [hbm:s6], s20  }
0x9f: {  	_ =	swait.ge [sflag:s22], s20  }
0xa0: {  	s5 =	ssub.s32 $0x0, s20;
	[sflag:s22] =	ssyncset.done $0x0  }
0xa1: {  	[sflag:s22] =	ssyncadd.s32 s5;
	_ =	sdelay $0x1  }
0xa2: {  	s23 =	simm.s32 $0x1B8B  }
0xa3: {  	_ =	swait.ge [sflag:s23], $0x1  }
0xa4: {  	[sflag:s23] =	ssyncset.done $0x0  }
0xa5: {  	s25 =	simm.s32 $0x1B8E;
	s24 =	sld [smem:$0x3FFE];
	[sflag:s23] =	ssyncadd.s32 $0xFFFFFFFF  }
0xa6: {  	s26 =	simm.s32 $execute0_lowered;
	[smem:$0x3FD2] =	sst s25  }
0xa7: {  	s6 =	sshll.u32 s26, $0x1;
	_ =	strace $0x80000046;
	[dreg:$0x1] =	wrdreg $0xFFFFFFFF  }
0xa8: {  	s28 =	simm.s32 $_size_execute0_lowered;
	s4 =	sadd.s32 s4, s6;
	[dreg:$0x0] =	wrdreg $0x0  }
0xa9: {  	s6 =	sshll.u32 s28, $0x1;
	[dreg:$0x2] =	wrdreg s4  }
0xaa: {  	[dreg:$0x3] =	wrdreg s6  }
0xab: {  	[dreg:$0x4] =	wrdreg $0xC0  }
0xac: {  	_ =	task [dreg:s8], $0x5FFFF  }
0xad: {  	[dreg:$0x1] =	wrdreg $0xFFFFFFFF  }
0xae: {  	[dreg:$0x0] =	wrdreg $0x60  }
0xaf: {  	[dreg:$0x2] =	wrdreg s2  }
0xb0: {  	[dreg:$0x3] =	wrdreg s18  }
0xb1: {  	[dreg:$0x4] =	wrdreg s24  }
0xb2: {  	[dreg:$0x5] =	wrdreg $0x9  }
0xb3: {  	_ =	task.clear_ibuf [dreg:s8], $0x6FFFF;
	_ =	strace $0x90000046  }
0xb4: {  	s29 =	simm.s32 $0x9;
	_ =	strace $0x80000048  }
0xb5: {  	_ =	swait.ge [sflag:s29], $0x1  }
0xb6: {  	[sflag:s29] =	ssyncadd.s32 $0xFFFFFFFF  }
0xb7: {  	_ =	strace $0x90000048  }
0xb8: {  	_ =	sfence  }
0xb9: {  	s30 =	sld [smem:$0x0];
	_ =	sdelay $0x2  }
0xba: {  	s31 =	sshll.u32 s1, $0xD;
	s1 =	sshrl.u32 s1, $0x2  }
0xbb: {  	s3 =	sand.u32 $0x4000, s31;
	s1 =	sadd.s32 s1, s30  }
0xbc: {  	s0 =	sor.u32 s3, s0;
	s1 =	sshll.u32 s1, $0x11  }
0xbd: {  	s0 =	sor.u32 s1, s0  }
0xbe: {  	s0 =	sadd.s32 $0x8F2B, s0  }
0xbf: {  	[sflag:s0] =	ssyncadd.remote.s32 $0x1  }
0xc0: {  	_ =	sfence.sel $0xFFFF  }
0xc1: {  	[dreg:$0x0] =	wrdreg $0xFFFFFFFF;
	(pc) =	sbr.abs _section_cstart, $3  }
0xc2: {  	[dreg:$0x1] =	wrdreg $0xFFFFFFFF  }
0xc3: {  	_ =	task.clear_ibuf [dreg:s8], $0x2FFFF;
	_ =	strace $0x9FFFFFFF  }
0xc4: {  	(tm) =	ssettm $0x7FFFFFFF  }
0xc5: {  	_ =	shalt  }
tec
execute0_lowered:
.L_overlay_start_1:
0x0: {  	(tag) =	ssettag $0x1  }
0x1: {  	s4 =	rddreg [dreg:$0x0]  }
0x2: {  	s5 =	rddreg [dreg:$0x1]  }
0x3: {  	s3 =	rddreg [dreg:$0x2]  }
0x4: {  	s0 =	rddreg [dreg:$0x3]  }
0x5: {  	s6 =	srdreg.scid;
	s1 =	stileid.u32;
	s2 =	simm.s32 $0x0  }
0x6: {  	s13 =	simm.s32 $0x1;
	s14 =	simm.s32 $0x2;
	s15 =	simm.s32 $0x1880  }
0x7: {  	s16 =	simm.s32 $0x3880;
	s17 =	simm.s32 $0x3900;
	s18 =	simm.s32 $0x3980  }
0x8: {  	s19 =	simm.s32 $0x3A00;
	s20 =	simm.s32 $0x3A80;
	s21 =	simm.s32 $0x3  }
0x9: {  	s6 =	sand.u32 $0x1, s6;
	s7 =	sshll.u32 s1, $0x1;
	[smem:$0x7FF] =	sst s2  }
0xa: {  	s22 =	simm.s32 $0x0;
	s7 =	sor.u32 s6, s7;
	_ =	strace $0x80000047  }
0xb: {  	s6 =	ssub.s32 $0x2, s6;
	s8 =	sshll.u32 s7, $0x6;
	s30 =	sshll.u32 s7, $0x4  }
0xc: {  	s10 =	smul.u32 $0x188, s7;
	p0 =	seq.s32 s7, $0x1F;
	s31 =	sshrl.u32 s6, $0x1  }
0xd: {  	s9 =	sadd.s32 s8, s3;
	s11 =	sadd.s32 s30, s3;
	s3 =	simm.s32 $0x160  }
0xe: {  	s12 =	ssub.s32 s6, s31;
	s10 =	simm.s32 @p0 $0x2F4C;
	s3 =	simm.s32 @!p0 $0x0  }
0xf: {  	s6 =	sadd.s32 $0xC00, s9;
	s7 =	sadd.s32 $0xC10, s9;
	s8 =	sadd.s32 $0xC20, s9  }
0x10: {  	v0 =	vimm.f32 $-1.000000000e+00;
	v1 =	vlaneseq.u32;
	s9 =	sadd.s32 $0xC30, s9;
	s4 =	sadd.s32 s4, s10;
	s5 =	sadd.s32 s5, s10  }
0x11: {  	vm0 =	vmxor vm0, vm0;
	v2 =	vimm.f32 $0.0e+00;
	v1 =	vmul.u32 $0x200, v1;
	s10 =	sadd.s32 $0x1400, s11;
	s11 =	smax.u32 s12, $0x1;
	s12 =	simm.s32 $0xC40  }
.LBB2_1:
0x12: {  	[tilespmem:s2], [sflag:$0x1] =	stream.linear.gather [hbm4b:s4+s2], $0xC40, $0x38;
	[tilespmem:$0x3B00] =	vst v63  }
0x13: {  	s23 =	simm.s32 $0x0;
	s24 =	simm.s32 $0x400  }
0x14: {  	[tilespmem:s12], [sflag:$0x2] =	stream.linear.gather [hbm4b:s5+s2], $0xC40, $0x38;
	[tilespmem:$0x3B00] =	vst v63  }
.LBB2_2:
0x15: {  	p0 =	sne.s32 s24, $0x7C00;
	[tilespmem:s23+$0x1970] =	vst v0  }
0x16: {  	[tilespmem:s23+$0x1880] =	vst v0  }
0x17: {  	[tilespmem:s23+$0x1890] =	vst v0  }
0x18: {  	[tilespmem:s23+$0x18A0] =	vst v0  }
0x19: {  	[tilespmem:s23+$0x18B0] =	vst v0  }
0x1a: {  	[tilespmem:s23+$0x18C0] =	vst v0  }
0x1b: {  	[tilespmem:s23+$0x18D0] =	vst v0  }
0x1c: {  	[tilespmem:s23+$0x18E0] =	vst v0  }
0x1d: {  	[tilespmem:s23+$0x18F0] =	vst v0  }
0x1e: {  	[tilespmem:s23+$0x1900] =	vst v0  }
0x1f: {  	[tilespmem:s23+$0x1910] =	vst v0  }
.Ltmp0:
0x20: {  	[tilespmem:s23+$0x1920] =	vst v0;
	(pc) =	sbr.rel @p0 .LBB2_2-.Ltmp0, $4  }
0x21: {  	[tilespmem:s23+$0x1930] =	vst v0  }
0x22: {  	[tilespmem:s23+$0x1940] =	vst v0  }
0x23: {  	[tilespmem:s23+$0x1950] =	vst v0  }
0x24: {  	[tilespmem:s23+$0x1960] =	vst v0;
	s23 =	sshra.s32 s24, $0x2;
	s24 =	sadd.s32 $0x400, s24  }
0x25: {  	[tilespmem:s23+$0x1970] =	vst v0  }
0x26: {  	[tilespmem:s23+$0x1880] =	vst v0  }
0x27: {  	[tilespmem:s23+$0x1890] =	vst v0  }
0x28: {  	[tilespmem:s23+$0x18A0] =	vst v0  }
0x29: {  	[tilespmem:s23+$0x18B0] =	vst v0  }
0x2a: {  	[tilespmem:s23+$0x18C0] =	vst v0  }
0x2b: {  	[tilespmem:s23+$0x18D0] =	vst v0  }
0x2c: {  	[tilespmem:s23+$0x18E0] =	vst v0  }
0x2d: {  	[tilespmem:s23+$0x18F0] =	vst v0  }
0x2e: {  	[tilespmem:s23+$0x1900] =	vst v0  }
0x2f: {  	[tilespmem:s23+$0x1910] =	vst v0  }
0x30: {  	[tilespmem:s23+$0x1920] =	vst v0  }
0x31: {  	[tilespmem:s23+$0x1930] =	vst v0  }
0x32: {  	[tilespmem:s23+$0x1940] =	vst v0  }
0x33: {  	[tilespmem:s23+$0x1950] =	vst v0  }
0x34: {  	[tilespmem:s23+$0x1960] =	vst v0  }
0x35: {  	_ =	swait.ge [sflag:s13], $0xC40  }
0x36: {  	[sflag:s13] =	ssyncset.done $0x0  }
0x37: {  	[sflag:s13] =	ssyncadd.s32 $0xFFFFF3C0  }
0x38: {  	_ =	swait.ge [sflag:s14], $0xC40  }
0x39: {  	s23 =	simm.s32 $0x60;
	[sflag:s14] =	ssyncset.done $0x0  }
0x3a: {  	v3 =	vimm.f32 $0.0e+00;
	s24 =	simm.s32 $0x30;
	s25 =	simm.s32 $0xC70;
	v4 =	vimm.f32 $0.0e+00;
	[sflag:s14] =	ssyncadd.s32 $0xFFFFF3C0  }
.LBB2_4:
0x3b: {  	v5 =	vld [tilespmem:s25+$0xFFFFFFD0];
	_ =	sdelay $0x4  }
0x3c: {  	v6 =	vadd.s32 v1, v5;
	_ =	sdelay $0x3  }
0x3d: {  	v7 =	vld [tilespmem:s24+$0xFFFFFFD0]  }
0x3e: {  	v8 =	vld.idx.msk [tilespmem:v6+s15+$0x0], $0xffff;
	_ =	sdelay $0x4  }
0x3f: {  	v8 =	vmax.f32 v8, v7  }
0x40: {  	[tilespmem:v6+s15+$0x0] =	vst.idx.msk $0xffff, v8  }
0x41: {  	v6 =	vld [tilespmem:s25+$0xFFFFFFE0];
	_ =	sdelay $0x4  }
0x42: {  	v53 =	vadd.s32 v1, v6;
	_ =	sdelay $0x3  }
0x43: {  	v9 =	vld [tilespmem:s24+$0xFFFFFFE0]  }
0x44: {  	v10 =	vld.idx.msk [tilespmem:v53+s15+$0x0], $0xffff;
	_ =	sdelay $0x4  }
0x45: {  	v10 =	vmax.f32 v10, v9  }
0x46: {  	[tilespmem:v53+s15+$0x0] =	vst.idx.msk $0xffff, v10  }
0x47: {  	v8 =	vld [tilespmem:s25+$0xFFFFFFF0];
	_ =	sdelay $0x4  }
0x48: {  	v54 =	vadd.s32 v1, v8;
	_ =	sdelay $0x3  }
0x49: {  	v11 =	vld [tilespmem:s24+$0xFFFFFFF0]  }
0x4a: {  	v12 =	vld.idx.msk [tilespmem:v54+s15+$0x0], $0xffff;
	_ =	sdelay $0x4  }
0x4b: {  	v12 =	vmax.f32 v12, v11  }
0x4c: {  	[tilespmem:v54+s15+$0x0] =	vst.idx.msk $0xffff, v12  }
0x4d: {  	v10 =	vld [tilespmem:s25+$0x0];
	_ =	sdelay $0x4  }
0x4e: {  	v55 =	vadd.s32 v1, v10;
	_ =	sdelay $0x3  }
0x4f: {  	v13 =	vld [tilespmem:s24+$0x0]  }
0x50: {  	v14 =	vld.idx.msk [tilespmem:v55+s15+$0x0], $0xffff;
	_ =	sdelay $0x4  }
0x51: {  	v14 =	vmax.f32 v14, v13  }
0x52: {  	[tilespmem:v55+s15+$0x0] =	vst.idx.msk $0xffff, v14  }
0x53: {  	v12 =	vld [tilespmem:s25+$0x10];
	_ =	sdelay $0x4  }
0x54: {  	v56 =	vadd.s32 v1, v12;
	_ =	sdelay $0x3  }
0x55: {  	v15 =	vld [tilespmem:s24+$0x10]  }
0x56: {  	v16 =	vld.idx.msk [tilespmem:v56+s15+$0x0], $0xffff;
	_ =	sdelay $0x4  }
0x57: {  	v16 =	vmax.f32 v16, v15  }
0x58: {  	[tilespmem:v56+s15+$0x0] =	vst.idx.msk $0xffff, v16  }
0x59: {  	v14 =	vld [tilespmem:s25+$0x20];
	_ =	sdelay $0x4  }
0x5a: {  	v57 =	vadd.s32 v1, v14;
	_ =	sdelay $0x3  }
0x5b: {  	v17 =	vld [tilespmem:s24+$0x20]  }
0x5c: {  	v18 =	vld.idx.msk [tilespmem:v57+s15+$0x0], $0xffff;
	_ =	sdelay $0x1  }
0x5d: {  	s26 =	sadd.s32 $0xFFFFFFA0, s23  }
0x5e: {  	vm1 =	vmmov vm0;
	p0 =	sge.u32 s26, s3  }
0x5f: {  	vm1 =	vmneg @p0 vm1;
	vm2 =	veq.s32 v5, $0x0  }
0x60: {  	vm1 =	vmand vm1, vm2;
	v5 =	vmax.f32 v18, v17  }
0x61: {  	s31 =	sadd.s32 $0xFFFFFFB0, s23;
	[tilespmem:v57+s15+$0x0] =	vst.idx.msk $0xffff, v5;
	v5 =	vnsel vm1, $0x0, v7  }
0x62: {  	s28 =	sadd.s32 $0xFFFFFFC0, s23;
	p0 =	sge.u32 s31, s3;
	v4 =	vadd.f32 v5, v4;
	v5 =	vsel vm1, $0x3F800000, v2;
	vm1 =	vmmov vm0  }
0x63: {  	vm3 =	vmmov vm0;
	vm2 =	veq.s32 v6, $0x0;
	v7 =	vld [tilespmem:s25+$0x30];
	vm1 =	vmneg @p0 vm1;
	p0 =	sge.u32 s28, s3  }
0x64: {  	vm1 =	vmand vm1, vm2;
	vm2 =	veq.s32 v8, $0x0;
	vm3 =	vmneg @p0 vm3  }
0x65: {  	v3 =	vadd.f32 v5, v3;
	vm2 =	vmand vm3, vm2  }
0x66: {  	s29 =	sadd.s32 $0xFFFFFFD0, s23;
	v5 =	vnsel vm1, $0x0, v9;
	v6 =	vsel vm1, $0x3F800000, v2;
	vm1 =	vmmov vm0  }
0x67: {  	p0 =	sge.u32 s29, s3;
	vm3 =	veq.s32 v10, $0x0;
	v4 =	vadd.f32 v5, v4;
	v3 =	vadd.f32 v6, v3  }
0x68: {  	v5 =	vnsel vm2, $0x0, v11;
	vm1 =	vmneg @p0 vm1;
	v6 =	vadd.s32 v1, v7  }
0x69: {  	vm1 =	vmand vm1, vm3;
	v4 =	vadd.f32 v5, v4;
	v5 =	vsel vm2, $0x3F800000, v2  }
0x6a: {  	s30 =	sadd.s32 $0xFFFFFFE0, s23;
	v3 =	vadd.f32 v5, v3;
	v5 =	vnsel vm1, $0x0, v13  }
0x6b: {  	s31 =	sadd.s32 $0xFFFFFFF0, s23;
	p0 =	sge.u32 s30, s3;
	v4 =	vadd.f32 v5, v4;
	v5 =	vsel vm1, $0x3F800000, v2;
	vm1 =	vmmov vm0  }
0x6c: {  	vm3 =	vmmov vm0;
	vm2 =	veq.s32 v12, $0x0;
	vm1 =	vmneg @p0 vm1;
	p0 =	sge.u32 s31, s3  }
0x6d: {  	v3 =	vadd.f32 v5, v3;
	v5 =	vld [tilespmem:s24+$0x30];
	vm1 =	vmand vm1, vm2;
	vm3 =	vmneg @p0 vm3  }
0x6e: {  	v58 =	vld.idx.msk [tilespmem:v6+s15+$0x0], $0xffff;
	p0 =	sge.u32 s23, s3;
	v59 =	vnsel vm1, $0x0, v15;
	v60 =	vsel vm1, $0x3F800000, v2;
	vm1 =	vmmov vm0  }
0x6f: {  	vm2 =	veq.s32 v14, $0x0;
	vm1 =	vmneg @p0 vm1;
	p0 =	sne.s32 s23, $0xC30  }
.Ltmp1:
0x70: {  	vm2 =	vmand vm3, vm2;
	v4 =	vadd.f32 v59, v4;
	v3 =	vadd.f32 v60, v3;
	(pc) =	sbr.rel @p0 .LBB2_4-.Ltmp1, $4  }
0x71: {  	v61 =	vnsel vm2, $0x0, v17;
	v62 =	vsel vm2, $0x3F800000, v2;
	vm2 =	veq.s32 v7, $0x0  }
0x72: {  	vm1 =	vmand vm1, vm2;
	v4 =	vadd.f32 v61, v4;
	v3 =	vadd.f32 v62, v3  }
0x73: {  	v63 =	vsel vm1, $0x3F800000, v2;
	v7 =	vmax.f32 v58, v5;
	v5 =	vnsel vm1, $0x0, v5  }
0x74: {  	s25 =	sadd.s32 $0x70, s25;
	s24 =	sadd.s32 $0x70, s24;
	s23 =	sadd.s32 $0x70, s23;
	[tilespmem:v6+s15+$0x0] =	vst.idx.msk $0xffff, v7;
	v4 =	vadd.f32 v5, v4;
	v3 =	vadd.f32 v63, v3  }
0x75: {  	s23 =	simm.s32 $0x0  }
0x76: {  	v5 =	vld [tilespmem:s23+$0x1890]  }
0x77: {  	v6 =	vld [tilespmem:s23+$0x1A90]  }
0x78: {  	v7 =	vld [tilespmem:s23+$0x1C90]  }
0x79: {  	v8 =	vld [tilespmem:s23+$0x1E90]  }
0x7a: {  	v9 =	vld [tilespmem:s23+$0x2090]  }
0x7b: {  	v10 =	vld [tilespmem:s23+$0x2290]  }
0x7c: {  	v11 =	vld [tilespmem:s23+$0x2490]  }
0x7d: {  	v5 =	vmax.f32 v5, v6;
	v6 =	vld [tilespmem:s23+$0x2690]  }
0x7e: {  	v5 =	vmax.f32 v5, v7;
	v7 =	vld [tilespmem:s23+$0x2890]  }
0x7f: {  	v5 =	vmax.f32 v5, v8;
	v8 =	vld [tilespmem:s23+$0x2A90]  }
0x80: {  	v5 =	vmax.f32 v5, v9;
	v9 =	vld [tilespmem:s23+$0x2C90]  }
0x81: {  	v5 =	vmax.f32 v5, v10;
	v10 =	vld [tilespmem:s23+$0x2E90]  }
0x82: {  	v5 =	vmax.f32 v5, v11;
	v11 =	vld [tilespmem:s23+$0x3090]  }
0x83: {  	v5 =	vmax.f32 v5, v6;
	v6 =	vld [tilespmem:s23+$0x3290]  }
0x84: {  	v5 =	vmax.f32 v5, v7;
	v7 =	vld [tilespmem:s23+$0x3490]  }
0x85: {  	v5 =	vmax.f32 v5, v8;
	v8 =	vld [tilespmem:s23+$0x3690]  }
0x86: {  	v5 =	vmax.f32 v5, v9;
	v9 =	vld [tilespmem:s23+$0x1880]  }
0x87: {  	v5 =	vmax.f32 v5, v10;
	v10 =	vld [tilespmem:s23+$0x1A80]  }
0x88: {  	v5 =	vmax.f32 v5, v11;
	v11 =	vld [tilespmem:s23+$0x1C80]  }
0x89: {  	v5 =	vmax.f32 v5, v6;
	v6 =	vld [tilespmem:s23+$0x1E80]  }
0x8a: {  	v5 =	vmax.f32 v5, v7;
	v7 =	vld [tilespmem:s23+$0x2080]  }
0x8b: {  	v5 =	vmax.f32 v5, v8;
	v8 =	vld [tilespmem:s23+$0x2280]  }
0x8c: {  	[tilespmem:s23+$0x3890] =	vst v5;
	v5 =	vmax.f32 v9, v10;
	v9 =	vld [tilespmem:s23+$0x2480]  }
0x8d: {  	v10 =	vld [tilespmem:s23+$0x2680];
	v5 =	vmax.f32 v5, v11  }
0x8e: {  	v11 =	vld [tilespmem:s23+$0x2880];
	v5 =	vmax.f32 v5, v6  }
0x8f: {  	v12 =	vld [tilespmem:s23+$0x2A80];
	v5 =	vmax.f32 v5, v7  }
0x90: {  	v13 =	vld [tilespmem:s23+$0x2C80];
	v5 =	vmax.f32 v5, v8  }
0x91: {  	v14 =	vld [tilespmem:s23+$0x2E80];
	v5 =	vmax.f32 v5, v9  }
0x92: {  	v6 =	vld [tilespmem:s23+$0x3080];
	v5 =	vmax.f32 v5, v10  }
0x93: {  	v7 =	vld [tilespmem:s23+$0x3280];
	v5 =	vmax.f32 v5, v11  }
0x94: {  	v8 =	vld [tilespmem:s23+$0x3480];
	v5 =	vmax.f32 v5, v12  }
0x95: {  	s25 =	simm.s32 $0x20;
	v9 =	vld [tilespmem:s23+$0x3680];
	v10 =	vmax.f32 v5, v13  }
0x96: {  	s24 =	simm.s32 $0x100;
	v5 =	vld [tilespmem:s25+$0x1890];
	v10 =	vmax.f32 v10, v14  }
.LBB2_6:
0x97: {  	p0 =	sne.s32 s24, $0x780;
	v11 =	vld [tilespmem:s25+$0x1A90];
	v6 =	vmax.f32 v10, v6  }
0x98: {  	v10 =	vld [tilespmem:s25+$0x1C90];
	v6 =	vmax.f32 v6, v7  }
0x99: {  	v7 =	vld [tilespmem:s25+$0x1E90];
	v6 =	vmax.f32 v6, v8  }
0x9a: {  	v8 =	vld [tilespmem:s25+$0x2090];
	v6 =	vmax.f32 v6, v9  }
0x9b: {  	v9 =	vld [tilespmem:s25+$0x2290];
	[tilespmem:s23+$0x3880] =	vst v6;
	s23 =	smov.u32 s25  }
0x9c: {  	v5 =	vmax.f32 v5, v11;
	v6 =	vld [tilespmem:s23+$0x2490]  }
0x9d: {  	v5 =	vmax.f32 v5, v10;
	v10 =	vld [tilespmem:s23+$0x2690]  }
0x9e: {  	v5 =	vmax.f32 v5, v7;
	v7 =	vld [tilespmem:s23+$0x2890]  }
0x9f: {  	v5 =	vmax.f32 v5, v8;
	v8 =	vld [tilespmem:s23+$0x2A90]  }
0xa0: {  	v5 =	vmax.f32 v5, v9;
	v9 =	vld [tilespmem:s23+$0x2C90]  }
0xa1: {  	v5 =	vmax.f32 v5, v6;
	v6 =	vld [tilespmem:s23+$0x2E90]  }
0xa2: {  	v5 =	vmax.f32 v5, v10;
	v10 =	vld [tilespmem:s23+$0x3090]  }
0xa3: {  	v5 =	vmax.f32 v5, v7;
	v7 =	vld [tilespmem:s23+$0x3290]  }
0xa4: {  	v5 =	vmax.f32 v5, v8;
	v8 =	vld [tilespmem:s23+$0x3490]  }
0xa5: {  	v5 =	vmax.f32 v5, v9;
	v9 =	vld [tilespmem:s23+$0x3690]  }
0xa6: {  	v11 =	vld [tilespmem:s23+$0x1880];
	v5 =	vmax.f32 v5, v6  }
0xa7: {  	v6 =	vld [tilespmem:s23+$0x1A80];
	v5 =	vmax.f32 v5, v10  }
0xa8: {  	v10 =	vld [tilespmem:s23+$0x1C80];
	v5 =	vmax.f32 v5, v7  }
0xa9: {  	v7 =	vld [tilespmem:s23+$0x1E80];
	v5 =	vmax.f32 v5, v8  }
0xaa: {  	v8 =	vld [tilespmem:s23+$0x2080];
	v5 =	vmax.f32 v5, v9  }
0xab: {  	v9 =	vld [tilespmem:s23+$0x2280];
	[tilespmem:s23+$0x3890] =	vst v5  }
0xac: {  	v5 =	vmax.f32 v11, v6;
	v6 =	vld [tilespmem:s23+$0x2480]  }
0xad: {  	v5 =	vmax.f32 v5, v10;
	v10 =	vld [tilespmem:s23+$0x2680]  }
0xae: {  	v5 =	vmax.f32 v5, v7;
	v7 =	vld [tilespmem:s23+$0x2880]  }
0xaf: {  	v5 =	vmax.f32 v5, v8;
	v8 =	vld [tilespmem:s23+$0x2A80]  }
0xb0: {  	v5 =	vmax.f32 v5, v9;
	v9 =	vld [tilespmem:s23+$0x2C80]  }
0xb1: {  	v5 =	vmax.f32 v5, v6;
	v11 =	vld [tilespmem:s23+$0x2E80]  }
.Ltmp2:
0xb2: {  	v5 =	vmax.f32 v5, v10;
	v6 =	vld [tilespmem:s23+$0x3080];
	(pc) =	sbr.rel @p0 .LBB2_6-.Ltmp2, $4  }
0xb3: {  	v5 =	vmax.f32 v5, v7;
	v7 =	vld [tilespmem:s23+$0x3280]  }
0xb4: {  	v5 =	vmax.f32 v5, v8;
	v8 =	vld [tilespmem:s23+$0x3480]  }
0xb5: {  	s25 =	sshra.s32 s24, $0x2;
	v10 =	vmax.f32 v5, v9;
	v9 =	vld [tilespmem:s23+$0x3680]  }
0xb6: {  	s24 =	sadd.s32 $0x80, s24;
	v5 =	vld [tilespmem:s25+$0x1890];
	v10 =	vmax.f32 v10, v11  }
0xb7: {  	v11 =	vld [tilespmem:s25+$0x1A90];
	v6 =	vmax.f32 v10, v6  }
0xb8: {  	v34 =	vld [tilespmem:s25+$0x1C90];
	v6 =	vmax.f32 v6, v7  }
0xb9: {  	v35 =	vld [tilespmem:s25+$0x1E90];
	v6 =	vmax.f32 v6, v8  }
0xba: {  	v36 =	vld [tilespmem:s25+$0x2090];
	v6 =	vmax.f32 v6, v9  }
0xbb: {  	v37 =	vld [tilespmem:s25+$0x2290];
	[tilespmem:s23+$0x3880] =	vst v6  }
0xbc: {  	v6 =	vld [tilespmem:s25+$0x2490]  }
0xbd: {  	v38 =	vld [tilespmem:s25+$0x2690]  }
0xbe: {  	v5 =	vmax.f32 v5, v11;
	v39 =	vld [tilespmem:s25+$0x2890]  }
0xbf: {  	v40 =	vld [tilespmem:s25+$0x2A90];
	v5 =	vmax.f32 v5, v34  }
0xc0: {  	v41 =	vld [tilespmem:s25+$0x2C90];
	v5 =	vmax.f32 v5, v35  }
0xc1: {  	v42 =	vld [tilespmem:s25+$0x2E90];
	v5 =	vmax.f32 v5, v36  }
0xc2: {  	v43 =	vld [tilespmem:s25+$0x3090];
	v5 =	vmax.f32 v5, v37  }
0xc3: {  	v44 =	vld [tilespmem:s25+$0x3290];
	v5 =	vmax.f32 v5, v6  }
0xc4: {  	v45 =	vld [tilespmem:s25+$0x3490];
	v5 =	vmax.f32 v5, v38  }
0xc5: {  	v46 =	vld [tilespmem:s25+$0x3690];
	v5 =	vmax.f32 v5, v39  }
0xc6: {  	v47 =	vld [tilespmem:s25+$0x1880];
	v5 =	vmax.f32 v5, v40  }
0xc7: {  	v48 =	vld [tilespmem:s25+$0x1A80];
	v5 =	vmax.f32 v5, v41  }
0xc8: {  	v49 =	vld [tilespmem:s25+$0x1C80];
	v5 =	vmax.f32 v5, v42  }
0xc9: {  	v50 =	vld [tilespmem:s25+$0x1E80];
	v5 =	vmax.f32 v5, v43  }
0xca: {  	v51 =	vld [tilespmem:s25+$0x2080];
	v5 =	vmax.f32 v5, v44  }
0xcb: {  	v52 =	vld [tilespmem:s25+$0x2280];
	v5 =	vmax.f32 v5, v45  }
0xcc: {  	v54 =	vld [tilespmem:s25+$0x2480];
	v53 =	vmax.f32 v47, v48;
	v5 =	vmax.f32 v5, v46  }
0xcd: {  	v55 =	vld [tilespmem:s25+$0x2680];
	[tilespmem:s25+$0x3890] =	vst v5;
	v5 =	vmax.f32 v53, v49  }
0xce: {  	v56 =	vld [tilespmem:s25+$0x2880];
	v5 =	vmax.f32 v5, v50  }
0xcf: {  	v57 =	vld [tilespmem:s25+$0x2A80];
	v5 =	vmax.f32 v5, v51  }
0xd0: {  	v58 =	vld [tilespmem:s25+$0x2C80];
	v5 =	vmax.f32 v5, v52  }
0xd1: {  	v59 =	vld [tilespmem:s25+$0x2E80];
	v5 =	vmax.f32 v5, v54  }
0xd2: {  	v60 =	vld [tilespmem:s25+$0x3080];
	v5 =	vmax.f32 v5, v55  }
0xd3: {  	v61 =	vld [tilespmem:s25+$0x3280];
	v5 =	vmax.f32 v5, v56  }
0xd4: {  	v62 =	vld [tilespmem:s25+$0x3480];
	v5 =	vmax.f32 v5, v57  }
0xd5: {  	v63 =	vld [tilespmem:s25+$0x3680];
	v5 =	vmax.f32 v5, v58  }
0xd6: {  	v5 =	vmax.f32 v5, v59  }
0xd7: {  	v5 =	vmax.f32 v5, v60  }
0xd8: {  	v5 =	vmax.f32 v5, v61  }
0xd9: {  	v5 =	vmax.f32 v5, v62  }
0xda: {  	v5 =	vmax.f32 v5, v63  }
0xdb: {  	[tilespmem:s25+$0x3880] =	vst v5  }
0xdc: {  	[tilespmem:$0x3A80] =	vst v4  }
0xdd: {  	[tilespmem:$0x3A90] =	vst v3  }
0xde: {  	[tilespmem:$0x3AA0] =	vst v2  }
0xdf: {  	[tilespmem:$0x3AB0] =	vst v2  }
0xe0: {  	[tilespmem:$0x3AC0] =	vst v2  }
0xe1: {  	[tilespmem:$0x3AD0] =	vst v2  }
0xe2: {  	[tilespmem:$0x3AE0] =	vst v2  }
0xe3: {  	[tilespmem:$0x3AF0] =	vst v2  }
0xe4: {  	[hbm4b:s6+s2] =	stream.linear.scatter [tilespmem:s16], [sflag:$0x3], $0x80, $0x38;
	[tilespmem:$0x3B00] =	vst v63  }
0xe5: {  	_ = 	snop  }
0xe6: {  	[hbm4b:s7+s2] =	stream.linear.scatter [tilespmem:s17], [sflag:$0x3], $0x80, $0x38;
	[tilespmem:$0x3B00] =	vst v63  }
0xe7: {  	_ = 	snop  }
0xe8: {  	[hbm4b:s8+s2] =	stream.linear.scatter [tilespmem:s18], [sflag:$0x3], $0x80, $0x38;
	[tilespmem:$0x3B00] =	vst v63  }
0xe9: {  	_ = 	snop  }
0xea: {  	[hbm4b:s9+s2] =	stream.linear.scatter [tilespmem:s19], [sflag:$0x3], $0x80, $0x38;
	[tilespmem:$0x3B00] =	vst v63  }
0xeb: {  	_ = 	snop  }
0xec: {  	[hbm4b:s10+s2] =	stream.linear.scatter [tilespmem:s20], [sflag:$0x3], $0x80, $0x38;
	[tilespmem:$0x3B00] =	vst v63  }
0xed: {  	_ =	swait.ge [sflag:s21], $0x80  }
0xee: {  	[sflag:s21] =	ssyncset.done $0x0  }
0xef: {  	[sflag:s21] =	ssyncadd.s32 $0xFFFFFF80  }
0xf0: {  	_ =	swait.ge [sflag:s21], $0x80  }
0xf1: {  	[sflag:s21] =	ssyncset.done $0x0  }
0xf2: {  	[sflag:s21] =	ssyncadd.s32 $0xFFFFFF80  }
0xf3: {  	_ =	swait.ge [sflag:s21], $0x80  }
0xf4: {  	[sflag:s21] =	ssyncset.done $0x0  }
0xf5: {  	s22 =	sadd.s32 $0x1, s22;
	[sflag:s21] =	ssyncadd.s32 $0xFFFFFF80  }
0xf6: {  	p0 =	sne.s32 s22, s11;
	_ =	swait.ge [sflag:s21], $0x80  }
.Ltmp3:
0xf7: {  	[sflag:s21] =	ssyncset.done $0x0;
	(pc) =	sbr.rel @p0 .LBB2_1-.Ltmp3, $4  }
0xf8: {  	[sflag:s21] =	ssyncadd.s32 $0xFFFFFF80  }
0xf9: {  	_ =	swait.ge [sflag:s21], $0x80  }
0xfa: {  	[sflag:s21] =	ssyncset.done $0x0  }
0xfb: {  	[sflag:s21] =	ssyncadd.s32 $0xFFFFFF80  }
0xfc: {  	_ =	sfence.sel $0x180000  }
0xfd: {  	[bflag:$0x0] =	sbarrier.arrive $0xFFFF  }
0xfe: {  	p0 =	sne.s32 s1, $0x0;
	_ =	strace $0x90000047  }
0xff: {  	s0 =	sadd.s32 @!p0 $0x100000, s0;
	[bflag:$0x2] =	sbarrier.arrive $0xFFFF  }
0x100: {  	[sflag:s0] =	ssyncadd.tile.s32 @!p0 $0x1;
	_ =	shalt  }
.Lfunc_end2:
_tile_overlayer_lowered:
.L_overlay_start_2:
0x101: {  	(tag) =	ssettag $0x2  }
0x102: {  	s0 =	rddreg [dreg:$0x0];
	s2 =	stileid.u32  }
0x103: {  	s1 =	rddreg [dreg:$0x1];
	p0 =	sne.s32 s2, $0x0  }
0x104: {  	s3 =	rddreg [dreg:$0x2];
	[bflag:$0x3] =	sbarrier.arrive $0xFFFF;
	s2 =	simm.s32 @!p0 $0x1C04  }
0x105: {  	[timem:s3], [sflag:s2] =	dma.local @!p0 [hbm:s0], s1  }
0x106: {  	s0 =	simm.s32 @!p0 $0x4  }
0x107: {  	_ =	swait.ge @!p0 [sflag:s0], s1  }
0x108: {  	s1 =	ssub.s32 @!p0 $0x0, s1;
	[sflag:s0] =	ssyncset.done @!p0 $0x0  }
0x109: {  	[sflag:s0] =	ssyncadd.s32 @!p0 s1  }
0x10a: {  	[bflag:$0x3] =	sbarrier.arrive $0xFFFF  }
0x10b: {  	_ =	shalt  }

</sc_bundles>
